<compile_context>
chip_gen: v7x
topology: tpu7x:2x2x1
jax: 0.10.2.dev20260603
libtpu: 0.0.44.dev20260713+nightly
codegen_flags: <defaults>
</compile_context>

<pallas_src>
import functools

import jax
import jax.numpy as jnp
from jax import lax
from jax.experimental import pallas as pl
from jax.experimental.pallas import tpu as pltpu
from jax.experimental.pallas import tpu_sc as plsc

_L = 16


def _rsqrt_pos(v):
    i = plsc.bitcast(v, jnp.int32)
    i = jnp.int32(0x5F3759DF) - lax.shift_right_logical(i, 1)
    y = plsc.bitcast(i, jnp.float32)
    half_v = 0.5 * v
    for _ in range(3):
        y = y * (1.5 - half_v * y * y)
    return y


@functools.partial(jax.jit, static_argnames="num_classes")
def _center_loss_sc(x, labels, idx, table, num_classes):
    B, F = x.shape
    NC, NS = 2, 16
    NW = NC * NS
    BPW = B // NW
    CH = F // _L
    HALF = BPW // 2

    mesh = plsc.VectorSubcoreMesh(core_axis_name="c", subcore_axis_name="s",
                                  num_cores=NC, num_subcores=NS)

    @functools.partial(
        pl.kernel,
        out_type=jax.ShapeDtypeStruct((NW // 8, 8 * _L), jnp.float32),
        mesh=mesh,
        compiler_params=pltpu.CompilerParams(needs_layout_passes=False),
        scratch_types=[
            pltpu.VMEM((BPW,), jnp.int32),
            pltpu.VMEM((BPW,), jnp.int32),
            pltpu.VMEM((BPW,), jnp.int32),
            pltpu.VMEM((BPW, F), jnp.float32),
            pltpu.VMEM((BPW, F), jnp.float32),
            pltpu.VMEM((BPW, _L), jnp.float32),
            pltpu.VMEM((BPW, _L), jnp.float32),
            pltpu.VMEM((BPW, _L), jnp.float32),
            pltpu.VMEM((_L,), jnp.float32),
            pltpu.SemaphoreType.DMA,
            pltpu.SemaphoreType.DMA,
            pltpu.SemaphoreType.DMA,
        ],
    )
    def run(x_hbm, lab_hbm, idx_hbm, tab_hbm, out_hbm,
            lab_v, idx_v, fi_v, xs_v, cs_v, sx_v, sc_v, sxc_v, ost_v,
            sem_x, sem_c0, sem_c1):
        wid = lax.axis_index("s") * NC + lax.axis_index("c")
        base = wid * BPW

        cp_x = pltpu.async_copy(x_hbm.at[pl.ds(base, BPW)], xs_v, sem_x)
        pltpu.sync_copy(lab_hbm.at[pl.ds(base, BPW)], lab_v)
        pltpu.sync_copy(idx_hbm.at[pl.ds(base, BPW)], idx_v)

        def fi_body(i, _):
            l16 = lab_v[pl.ds(i * _L, _L)]
            d16 = idx_v[pl.ds(i * _L, _L)]
            fi_v[pl.ds(i * _L, _L)] = d16 * num_classes + l16
            return 0
        lax.fori_loop(0, BPW // _L, fi_body, 0, unroll=True)

        cp_c0 = pltpu.async_copy(
            tab_hbm.at[fi_v.at[pl.ds(0, HALF)]],
            cs_v.at[pl.ds(0, HALF)], sem_c0)
        cp_c1 = pltpu.async_copy(
            tab_hbm.at[fi_v.at[pl.ds(HALF, HALF)]],
            cs_v.at[pl.ds(HALF, HALF)], sem_c1)

        def phase1(lo, hi):
            def row_body(r, _):
                ax = jnp.zeros((_L,), jnp.float32)
                ac = jnp.zeros((_L,), jnp.float32)
                axc = jnp.zeros((_L,), jnp.float32)
                for ch in range(CH):
                    xv = xs_v[r, pl.ds(ch * _L, _L)]
                    cv = cs_v[r, pl.ds(ch * _L, _L)]
                    ax = ax + xv * xv
                    ac = ac + cv * cv
                    axc = axc + xv * cv
                sx_v[r, ...] = jnp.full((_L,), jnp.sum(ax), jnp.float32)
                sc_v[r, ...] = jnp.full((_L,), jnp.sum(ac), jnp.float32)
                sxc_v[r, ...] = jnp.full((_L,), jnp.sum(axc), jnp.float32)
                return 0
            lax.fori_loop(lo, hi, row_body, 0)

        cp_x.wait()
        cp_c0.wait()
        phase1(0, HALF)
        cp_c1.wait()
        phase1(HALF, BPW)

        lane = lax.broadcasted_iota(jnp.int32, (_L,), 0)

        def grp_body(g, acc):
            rows = g * _L + lane
            sx = plsc.load_gather(sx_v, [rows, lane])
            sc = plsc.load_gather(sc_v, [rows, lane])
            sxc = plsc.load_gather(sxc_v, [rows, lane])
            inx = _rsqrt_pos(jnp.maximum(sx, 1e-24))
            inc = _rsqrt_pos(jnp.maximum(sc, 1e-24))
            d = sx * inx * inx - 2.0 * sxc * (inx * inc) + sc * inc * inc
            d = jnp.minimum(jnp.maximum(d, 1e-12), 1e12)
            return acc + d
        acc = lax.fori_loop(0, BPW // _L, grp_body,
                            jnp.zeros((_L,), jnp.float32))
        ost_v[...] = acc * (1.0 / B)
        pltpu.sync_copy(
            ost_v, out_hbm.at[wid // 8, pl.ds((wid % 8) * _L, _L)])

    return run(x, labels, idx, table)


def kernel(x, labels, idx, logger, centers):
    ds, num_classes, feat = centers.shape
    table = centers.reshape(ds * num_classes, feat)
    partials = _center_loss_sc(x, labels.astype(jnp.int32),
                               idx.astype(jnp.int32), table,
                               num_classes=num_classes)
    return jnp.sum(partials)

# --- scband reference (transcript-rebuilt; emitter-appended) ---
"""Pipeline reference for scband-emamulti-center-loss-90366111908298 (READ-ONLY COPY).

The authoritative reference and input builder live on the scoring server;
editing this copy changes nothing except your own understanding.
"""

import jax, jax.numpy as jnp
import numpy as np

NUM_CLASSES = 1000
FEAT_DIM = 128
DS_COUNT = 4
BATCH = 4096


def _normalize(v, axis=1, eps=1e-12):
    n = jnp.linalg.norm(v, ord=2, axis=axis, keepdims=True)
    return v / jnp.maximum(n, eps)


def setup_inputs(seed: int = 0) -> dict:
    key = jax.random.key(seed)
    k1, k2, k3 = jax.random.split(key, 3)
    x = jax.random.normal(k1, (BATCH, FEAT_DIM), dtype=jnp.float32)
    labels = jax.random.randint(k2, (BATCH,), 0, NUM_CLASSES)
    idx = jax.random.randint(k3, (BATCH,), 0, DS_COUNT)
    # centers buffer is zero-initialized in the torch module
    centers = jnp.zeros((DS_COUNT, NUM_CLASSES, FEAT_DIM), dtype=jnp.float32)
    logger = 0  # unused placeholder arg in the torch forward
    return {"x": x, "labels": labels, "idx": idx, "logger": logger, "centers": centers}


def reference(x, labels, idx, logger, centers):
    # x = F.normalize(x, dim=1)
    xn = _normalize(x, axis=1)
    # center = self.centers[idx].detach(); gather along class dim with labels;
    # the repeat/gather/squeeze is equivalent to centers[idx, labels]
    center = jax.lax.stop_gradient(centers)[idx, labels]  # [B, feat]
    center = _normalize(center, axis=1)
    dist = jnp.sum((xn - center) ** 2, axis=-1)  # [B]
    loss = jnp.mean(jnp.clip(dist, 1e-12, 1e12), axis=-1)
    return loss

if __name__ == "__main__":
    import jax
    _d = setup_inputs()
    print(jax.jit(kernel)(*tuple(_d.values())))

</pallas_src>

<mosaic_0001>
#map = affine_map<(d0, d1) -> (0, 0)>
#map1 = affine_map<(d0, d1) -> (0)>
module attributes {stable_mosaic.version = 14 : i64} {
  func.func @run(%arg0: i32, %arg1: i32, %arg2: memref<4096x128xf32, #tpu.memory_space<hbm>>, %arg3: memref<4096xi32, #tpu.memory_space<hbm>>, %arg4: memref<4096xi32, #tpu.memory_space<hbm>>, %arg5: memref<4000x128xf32, #tpu.memory_space<hbm>>, %arg6: memref<4x128xf32, #tpu.memory_space<hbm>>, %arg7: memref<128xi32, #tpu.memory_space<vmem>>, %arg8: memref<128xi32, #tpu.memory_space<vmem>>, %arg9: memref<128xi32, #tpu.memory_space<vmem>>, %arg10: memref<128x128xf32, #tpu.memory_space<vmem>>, %arg11: memref<128x128xf32, #tpu.memory_space<vmem>>, %arg12: memref<128x16xf32, #tpu.memory_space<vmem>>, %arg13: memref<128x16xf32, #tpu.memory_space<vmem>>, %arg14: memref<128x16xf32, #tpu.memory_space<vmem>>, %arg15: memref<16xf32, #tpu.memory_space<vmem>>, %arg16: memref<!tpu.dma_semaphore, #tpu.memory_space<semaphore_mem>>, %arg17: memref<!tpu.dma_semaphore, #tpu.memory_space<semaphore_mem>>, %arg18: memref<!tpu.dma_semaphore, #tpu.memory_space<semaphore_mem>>) attributes {dimension_semantics = [#tpu.dimension_semantics<core_parallel>, #tpu.dimension_semantics<subcore_parallel>], iteration_bounds = array<i64: 2, 16>, scalar_prefetch = 0 : i64, scratch_operands = 12 : i64, tpu.core_type = #tpu.core_type<sc_vector_subcore>, window_params = [{transform_indices = #map}, {transform_indices = #map1}, {transform_indices = #map1}, {transform_indices = #map}, {transform_indices = #map}]} {
    %mul3A = arith.constant 2 : i32
    %mul3A_0 = arith.muli %arg1, %mul3A : i32
    %add3A = arith.addi %mul3A_0, %arg0 : i32
    %mul3A_1 = arith.constant 128 : i32
    %mul3A_2 = arith.muli %add3A, %mul3A_1 : i32
    %dma_start3A = arith.constant 0 : i32
    %dma_start3A_3 = tpu.memref_slice %arg2[%mul3A_2, %dma_start3A] : memref<4096x128xf32, #tpu.memory_space<hbm>> -> memref<128x128xf32, #tpu.memory_space<hbm>>
    %dma_start3A_4 = arith.constant 0 : i32
    %dma_start3A_5 = tpu.memref_slice %arg2[%mul3A_2, %dma_start3A_4] : memref<4096x128xf32, #tpu.memory_space<hbm>> -> memref<128x128xf32, #tpu.memory_space<hbm>>
    tpu.enqueue_dma source(%dma_start3A_5 : memref<128x128xf32, #tpu.memory_space<hbm>>) target(%arg10 : memref<128x128xf32, #tpu.memory_space<vmem>>) target_semaphore(%arg16 : memref<!tpu.dma_semaphore, #tpu.memory_space<semaphore_mem>>)
    "tpu.region"() ({
      %run_scoped3A = tpu.sem_alloc : memref<!tpu.dma_semaphore, #tpu.memory_space<semaphore_mem>>
      %dma_start3A_242 = tpu.memref_slice %arg3[%mul3A_2] : memref<4096xi32, #tpu.memory_space<hbm>> -> memref<128xi32, #tpu.memory_space<hbm>>
      %dma_start3A_243 = tpu.memref_slice %arg3[%mul3A_2] : memref<4096xi32, #tpu.memory_space<hbm>> -> memref<128xi32, #tpu.memory_space<hbm>>
      tpu.enqueue_dma source(%dma_start3A_243 : memref<128xi32, #tpu.memory_space<hbm>>) target(%arg7 : memref<128xi32, #tpu.memory_space<vmem>>) target_semaphore(%run_scoped3A : memref<!tpu.dma_semaphore, #tpu.memory_space<semaphore_mem>>)
      %dma_wait3A_244 = tpu.memref_slice %arg3[%mul3A_2] : memref<4096xi32, #tpu.memory_space<hbm>> -> memref<128xi32, #tpu.memory_space<hbm>>
      %dma_wait3A_245 = tpu.memref_slice %arg3[%mul3A_2] : memref<4096xi32, #tpu.memory_space<hbm>> -> memref<128xi32, #tpu.memory_space<hbm>>
      tpu.wait_dma2 semaphore(%run_scoped3A : memref<!tpu.dma_semaphore, #tpu.memory_space<semaphore_mem>>) src(%dma_wait3A_245 : memref<128xi32, #tpu.memory_space<hbm>>) dst(%arg7 : memref<128xi32, #tpu.memory_space<vmem>>)
      tpu.yield
    }) : () -> ()
    "tpu.region"() ({
      %run_scoped3A = tpu.sem_alloc : memref<!tpu.dma_semaphore, #tpu.memory_space<semaphore_mem>>
      %dma_start3A_242 = tpu.memref_slice %arg4[%mul3A_2] : memref<4096xi32, #tpu.memory_space<hbm>> -> memref<128xi32, #tpu.memory_space<hbm>>
      %dma_start3A_243 = tpu.memref_slice %arg4[%mul3A_2] : memref<4096xi32, #tpu.memory_space<hbm>> -> memref<128xi32, #tpu.memory_space<hbm>>
      tpu.enqueue_dma source(%dma_start3A_243 : memref<128xi32, #tpu.memory_space<hbm>>) target(%arg8 : memref<128xi32, #tpu.memory_space<vmem>>) target_semaphore(%run_scoped3A : memref<!tpu.dma_semaphore, #tpu.memory_space<semaphore_mem>>)
      %dma_wait3A_244 = tpu.memref_slice %arg4[%mul3A_2] : memref<4096xi32, #tpu.memory_space<hbm>> -> memref<128xi32, #tpu.memory_space<hbm>>
      %dma_wait3A_245 = tpu.memref_slice %arg4[%mul3A_2] : memref<4096xi32, #tpu.memory_space<hbm>> -> memref<128xi32, #tpu.memory_space<hbm>>
      tpu.wait_dma2 semaphore(%run_scoped3A : memref<!tpu.dma_semaphore, #tpu.memory_space<semaphore_mem>>) src(%dma_wait3A_245 : memref<128xi32, #tpu.memory_space<hbm>>) dst(%arg8 : memref<128xi32, #tpu.memory_space<vmem>>)
      tpu.yield
    }) : () -> ()
    %scan3A = arith.constant 0 : i32
    %scan3A_6 = arith.constant 0 : i32
    %mul3A_7 = arith.constant 16 : i32
    %mul3A_8 = arith.muli %scan3A_6, %mul3A_7 : i32
    %get3A = arith.index_cast %mul3A_8 : i32 to index
    %get3A_9 = tpu.vector_load %arg7[%get3A] {strides = array<i32>} : memref<128xi32, #tpu.memory_space<vmem>>, vector<16xi32>,
    %mul3A_10 = arith.constant 16 : i32
    %mul3A_11 = arith.muli %scan3A_6, %mul3A_10 : i32
    %get3A_12 = arith.index_cast %mul3A_11 : i32 to index
    %get3A_13 = tpu.vector_load %arg8[%get3A_12] {strides = array<i32>} : memref<128xi32, #tpu.memory_space<vmem>>, vector<16xi32>,
    %mul3A_14 = arith.constant 1000 : i32
    %mul3A_15 = vector.broadcast %mul3A_14 : i32 to vector<16xi32>
    %mul3A_16 = arith.muli %get3A_13, %mul3A_15 : vector<16xi32>
    %add3A_17 = arith.addi %mul3A_16, %get3A_9 : vector<16xi32>
    %mul3A_18 = arith.constant 16 : i32
    %mul3A_19 = arith.muli %scan3A_6, %mul3A_18 : i32
    %swap3A = arith.index_cast %mul3A_19 : i32 to index
    %swap3A_20 = tpu.vector_load %arg9[%swap3A] {strides = array<i32>} : memref<128xi32, #tpu.memory_space<vmem>>, vector<16xi32>,
    tpu.vector_store %arg9[%swap3A], %add3A_17 {strides = array<i32>} : memref<128xi32, #tpu.memory_space<vmem>>, vector<16xi32>,
    %scan3A_21 = arith.constant 0 : i32
    %scan3A_22 = arith.constant 1 : i32
    %mul3A_23 = arith.constant 16 : i32
    %mul3A_24 = arith.muli %scan3A_22, %mul3A_23 : i32
    %get3A_25 = arith.index_cast %mul3A_24 : i32 to index
    %get3A_26 = tpu.vector_load %arg7[%get3A_25] {strides = array<i32>} : memref<128xi32, #tpu.memory_space<vmem>>, vector<16xi32>,
    %mul3A_27 = arith.constant 16 : i32
    %mul3A_28 = arith.muli %scan3A_22, %mul3A_27 : i32
    %get3A_29 = arith.index_cast %mul3A_28 : i32 to index
    %get3A_30 = tpu.vector_load %arg8[%get3A_29] {strides = array<i32>} : memref<128xi32, #tpu.memory_space<vmem>>, vector<16xi32>,
    %mul3A_31 = arith.constant 1000 : i32
    %mul3A_32 = vector.broadcast %mul3A_31 : i32 to vector<16xi32>
    %mul3A_33 = arith.muli %get3A_30, %mul3A_32 : vector<16xi32>
    %add3A_34 = arith.addi %mul3A_33, %get3A_26 : vector<16xi32>
    %mul3A_35 = arith.constant 16 : i32
    %mul3A_36 = arith.muli %scan3A_22, %mul3A_35 : i32
    %swap3A_37 = arith.index_cast %mul3A_36 : i32 to index
    %swap3A_38 = tpu.vector_load %arg9[%swap3A_37] {strides = array<i32>} : memref<128xi32, #tpu.memory_space<vmem>>, vector<16xi32>,
    tpu.vector_store %arg9[%swap3A_37], %add3A_34 {strides = array<i32>} : memref<128xi32, #tpu.memory_space<vmem>>, vector<16xi32>,
    %scan3A_39 = arith.constant 0 : i32
    %scan3A_40 = arith.constant 2 : i32
    %mul3A_41 = arith.constant 16 : i32
    %mul3A_42 = arith.muli %scan3A_40, %mul3A_41 : i32
    %get3A_43 = arith.index_cast %mul3A_42 : i32 to index
    %get3A_44 = tpu.vector_load %arg7[%get3A_43] {strides = array<i32>} : memref<128xi32, #tpu.memory_space<vmem>>, vector<16xi32>,
    %mul3A_45 = arith.constant 16 : i32
    %mul3A_46 = arith.muli %scan3A_40, %mul3A_45 : i32
    %get3A_47 = arith.index_cast %mul3A_46 : i32 to index
    %get3A_48 = tpu.vector_load %arg8[%get3A_47] {strides = array<i32>} : memref<128xi32, #tpu.memory_space<vmem>>, vector<16xi32>,
    %mul3A_49 = arith.constant 1000 : i32
    %mul3A_50 = vector.broadcast %mul3A_49 : i32 to vector<16xi32>
    %mul3A_51 = arith.muli %get3A_48, %mul3A_50 : vector<16xi32>
    %add3A_52 = arith.addi %mul3A_51, %get3A_44 : vector<16xi32>
    %mul3A_53 = arith.constant 16 : i32
    %mul3A_54 = arith.muli %scan3A_40, %mul3A_53 : i32
    %swap3A_55 = arith.index_cast %mul3A_54 : i32 to index
    %swap3A_56 = tpu.vector_load %arg9[%swap3A_55] {strides = array<i32>} : memref<128xi32, #tpu.memory_space<vmem>>, vector<16xi32>,
    tpu.vector_store %arg9[%swap3A_55], %add3A_52 {strides = array<i32>} : memref<128xi32, #tpu.memory_space<vmem>>, vector<16xi32>,
    %scan3A_57 = arith.constant 0 : i32
    %scan3A_58 = arith.constant 3 : i32
    %mul3A_59 = arith.constant 16 : i32
    %mul3A_60 = arith.muli %scan3A_58, %mul3A_59 : i32
    %get3A_61 = arith.index_cast %mul3A_60 : i32 to index
    %get3A_62 = tpu.vector_load %arg7[%get3A_61] {strides = array<i32>} : memref<128xi32, #tpu.memory_space<vmem>>, vector<16xi32>,
    %mul3A_63 = arith.constant 16 : i32
    %mul3A_64 = arith.muli %scan3A_58, %mul3A_63 : i32
    %get3A_65 = arith.index_cast %mul3A_64 : i32 to index
    %get3A_66 = tpu.vector_load %arg8[%get3A_65] {strides = array<i32>} : memref<128xi32, #tpu.memory_space<vmem>>, vector<16xi32>,
    %mul3A_67 = arith.constant 1000 : i32
    %mul3A_68 = vector.broadcast %mul3A_67 : i32 to vector<16xi32>
    %mul3A_69 = arith.muli %get3A_66, %mul3A_68 : vector<16xi32>
    %add3A_70 = arith.addi %mul3A_69, %get3A_62 : vector<16xi32>
    %mul3A_71 = arith.constant 16 : i32
    %mul3A_72 = arith.muli %scan3A_58, %mul3A_71 : i32
    %swap3A_73 = arith.index_cast %mul3A_72 : i32 to index
    %swap3A_74 = tpu.vector_load %arg9[%swap3A_73] {strides = array<i32>} : memref<128xi32, #tpu.memory_space<vmem>>, vector<16xi32>,
    tpu.vector_store %arg9[%swap3A_73], %add3A_70 {strides = array<i32>} : memref<128xi32, #tpu.memory_space<vmem>>, vector<16xi32>,
    %scan3A_75 = arith.constant 0 : i32
    %scan3A_76 = arith.constant 4 : i32
    %mul3A_77 = arith.constant 16 : i32
    %mul3A_78 = arith.muli %scan3A_76, %mul3A_77 : i32
    %get3A_79 = arith.index_cast %mul3A_78 : i32 to index
    %get3A_80 = tpu.vector_load %arg7[%get3A_79] {strides = array<i32>} : memref<128xi32, #tpu.memory_space<vmem>>, vector<16xi32>,
    %mul3A_81 = arith.constant 16 : i32
    %mul3A_82 = arith.muli %scan3A_76, %mul3A_81 : i32
    %get3A_83 = arith.index_cast %mul3A_82 : i32 to index
    %get3A_84 = tpu.vector_load %arg8[%get3A_83] {strides = array<i32>} : memref<128xi32, #tpu.memory_space<vmem>>, vector<16xi32>,
    %mul3A_85 = arith.constant 1000 : i32
    %mul3A_86 = vector.broadcast %mul3A_85 : i32 to vector<16xi32>
    %mul3A_87 = arith.muli %get3A_84, %mul3A_86 : vector<16xi32>
    %add3A_88 = arith.addi %mul3A_87, %get3A_80 : vector<16xi32>
    %mul3A_89 = arith.constant 16 : i32
    %mul3A_90 = arith.muli %scan3A_76, %mul3A_89 : i32
    %swap3A_91 = arith.index_cast %mul3A_90 : i32 to index
    %swap3A_92 = tpu.vector_load %arg9[%swap3A_91] {strides = array<i32>} : memref<128xi32, #tpu.memory_space<vmem>>, vector<16xi32>,
    tpu.vector_store %arg9[%swap3A_91], %add3A_88 {strides = array<i32>} : memref<128xi32, #tpu.memory_space<vmem>>, vector<16xi32>,
    %scan3A_93 = arith.constant 0 : i32
    %scan3A_94 = arith.constant 5 : i32
    %mul3A_95 = arith.constant 16 : i32
    %mul3A_96 = arith.muli %scan3A_94, %mul3A_95 : i32
    %get3A_97 = arith.index_cast %mul3A_96 : i32 to index
    %get3A_98 = tpu.vector_load %arg7[%get3A_97] {strides = array<i32>} : memref<128xi32, #tpu.memory_space<vmem>>, vector<16xi32>,
    %mul3A_99 = arith.constant 16 : i32
    %mul3A_100 = arith.muli %scan3A_94, %mul3A_99 : i32
    %get3A_101 = arith.index_cast %mul3A_100 : i32 to index
    %get3A_102 = tpu.vector_load %arg8[%get3A_101] {strides = array<i32>} : memref<128xi32, #tpu.memory_space<vmem>>, vector<16xi32>,
    %mul3A_103 = arith.constant 1000 : i32
    %mul3A_104 = vector.broadcast %mul3A_103 : i32 to vector<16xi32>
    %mul3A_105 = arith.muli %get3A_102, %mul3A_104 : vector<16xi32>
    %add3A_106 = arith.addi %mul3A_105, %get3A_98 : vector<16xi32>
    %mul3A_107 = arith.constant 16 : i32
    %mul3A_108 = arith.muli %scan3A_94, %mul3A_107 : i32
    %swap3A_109 = arith.index_cast %mul3A_108 : i32 to index
    %swap3A_110 = tpu.vector_load %arg9[%swap3A_109] {strides = array<i32>} : memref<128xi32, #tpu.memory_space<vmem>>, vector<16xi32>,
    tpu.vector_store %arg9[%swap3A_109], %add3A_106 {strides = array<i32>} : memref<128xi32, #tpu.memory_space<vmem>>, vector<16xi32>,
    %scan3A_111 = arith.constant 0 : i32
    %scan3A_112 = arith.constant 6 : i32
    %mul3A_113 = arith.constant 16 : i32
    %mul3A_114 = arith.muli %scan3A_112, %mul3A_113 : i32
    %get3A_115 = arith.index_cast %mul3A_114 : i32 to index
    %get3A_116 = tpu.vector_load %arg7[%get3A_115] {strides = array<i32>} : memref<128xi32, #tpu.memory_space<vmem>>, vector<16xi32>,
    %mul3A_117 = arith.constant 16 : i32
    %mul3A_118 = arith.muli %scan3A_112, %mul3A_117 : i32
    %get3A_119 = arith.index_cast %mul3A_118 : i32 to index
    %get3A_120 = tpu.vector_load %arg8[%get3A_119] {strides = array<i32>} : memref<128xi32, #tpu.memory_space<vmem>>, vector<16xi32>,
    %mul3A_121 = arith.constant 1000 : i32
    %mul3A_122 = vector.broadcast %mul3A_121 : i32 to vector<16xi32>
    %mul3A_123 = arith.muli %get3A_120, %mul3A_122 : vector<16xi32>
    %add3A_124 = arith.addi %mul3A_123, %get3A_116 : vector<16xi32>
    %mul3A_125 = arith.constant 16 : i32
    %mul3A_126 = arith.muli %scan3A_112, %mul3A_125 : i32
    %swap3A_127 = arith.index_cast %mul3A_126 : i32 to index
    %swap3A_128 = tpu.vector_load %arg9[%swap3A_127] {strides = array<i32>} : memref<128xi32, #tpu.memory_space<vmem>>, vector<16xi32>,
    tpu.vector_store %arg9[%swap3A_127], %add3A_124 {strides = array<i32>} : memref<128xi32, #tpu.memory_space<vmem>>, vector<16xi32>,
    %scan3A_129 = arith.constant 0 : i32
    %scan3A_130 = arith.constant 7 : i32
    %mul3A_131 = arith.constant 16 : i32
    %mul3A_132 = arith.muli %scan3A_130, %mul3A_131 : i32
    %get3A_133 = arith.index_cast %mul3A_132 : i32 to index
    %get3A_134 = tpu.vector_load %arg7[%get3A_133] {strides = array<i32>} : memref<128xi32, #tpu.memory_space<vmem>>, vector<16xi32>,
    %mul3A_135 = arith.constant 16 : i32
    %mul3A_136 = arith.muli %scan3A_130, %mul3A_135 : i32
    %get3A_137 = arith.index_cast %mul3A_136 : i32 to index
    %get3A_138 = tpu.vector_load %arg8[%get3A_137] {strides = array<i32>} : memref<128xi32, #tpu.memory_space<vmem>>, vector<16xi32>,
    %mul3A_139 = arith.constant 1000 : i32
    %mul3A_140 = vector.broadcast %mul3A_139 : i32 to vector<16xi32>
    %mul3A_141 = arith.muli %get3A_138, %mul3A_140 : vector<16xi32>
    %add3A_142 = arith.addi %mul3A_141, %get3A_134 : vector<16xi32>
    %mul3A_143 = arith.constant 16 : i32
    %mul3A_144 = arith.muli %scan3A_130, %mul3A_143 : i32
    %swap3A_145 = arith.index_cast %mul3A_144 : i32 to index
    %swap3A_146 = tpu.vector_load %arg9[%swap3A_145] {strides = array<i32>} : memref<128xi32, #tpu.memory_space<vmem>>, vector<16xi32>,
    tpu.vector_store %arg9[%swap3A_145], %add3A_142 {strides = array<i32>} : memref<128xi32, #tpu.memory_space<vmem>>, vector<16xi32>,
    %scan3A_147 = arith.constant 0 : i32
    %scan3A_148 = arith.constant 8 : i32
    %dma_start3A_149 = arith.constant 0 : i32
    %dma_start3A_150 = arith.constant 0 : i32
    %dma_start3A_151 = tpu.memref_slice %arg11[%dma_start3A_149, %dma_start3A_150] : memref<128x128xf32, #tpu.memory_space<vmem>> -> memref<64x128xf32, #tpu.memory_space<vmem>>
    %dma_start3A_152 = arith.constant 0 : i32
    %dma_start3A_153 = tpu.memref_slice %arg9[%dma_start3A_152] : memref<128xi32, #tpu.memory_space<vmem>> -> memref<64xi32, #tpu.memory_space<vmem>>
    %dma_start3A_154 = arith.constant 0 : i32
    %dma_start3A_155 = arith.constant 0 : i32
    %dma_start3A_156 = tpu.memref_slice %arg5[%dma_start3A_154, %dma_start3A_155] : memref<4000x128xf32, #tpu.memory_space<hbm>> -> memref<4000x128xf32, #tpu.memory_space<hbm>>
    tpu.enqueue_indirect_dma source(%dma_start3A_156 : memref<4000x128xf32, #tpu.memory_space<hbm>>) target(%dma_start3A_151 : memref<64x128xf32, #tpu.memory_space<vmem>>) offsets(%dma_start3A_153 : memref<64xi32, #tpu.memory_space<vmem>>) semaphore(%arg17 : memref<!tpu.dma_semaphore, #tpu.memory_space<semaphore_mem>>)
    %dma_start3A_157 = arith.constant 64 : i32
    %dma_start3A_158 = arith.constant 0 : i32
    %dma_start3A_159 = tpu.memref_slice %arg11[%dma_start3A_157, %dma_start3A_158] : memref<128x128xf32, #tpu.memory_space<vmem>> -> memref<64x128xf32, #tpu.memory_space<vmem>>
    %dma_start3A_160 = arith.constant 64 : i32
    %dma_start3A_161 = tpu.memref_slice %arg9[%dma_start3A_160] : memref<128xi32, #tpu.memory_space<vmem>> -> memref<64xi32, #tpu.memory_space<vmem>>
    %dma_start3A_162 = arith.constant 0 : i32
    %dma_start3A_163 = arith.constant 0 : i32
    %dma_start3A_164 = tpu.memref_slice %arg5[%dma_start3A_162, %dma_start3A_163] : memref<4000x128xf32, #tpu.memory_space<hbm>> -> memref<4000x128xf32, #tpu.memory_space<hbm>>
    tpu.enqueue_indirect_dma source(%dma_start3A_164 : memref<4000x128xf32, #tpu.memory_space<hbm>>) target(%dma_start3A_159 : memref<64x128xf32, #tpu.memory_space<vmem>>) offsets(%dma_start3A_161 : memref<64xi32, #tpu.memory_space<vmem>>) semaphore(%arg18 : memref<!tpu.dma_semaphore, #tpu.memory_space<semaphore_mem>>)
    %dma_wait3A = arith.constant 0 : i32
    %dma_wait3A_165 = tpu.memref_slice %arg2[%mul3A_2, %dma_wait3A] : memref<4096x128xf32, #tpu.memory_space<hbm>> -> memref<128x128xf32, #tpu.memory_space<hbm>>
    %dma_wait3A_166 = arith.constant 0 : i32
    %dma_wait3A_167 = tpu.memref_slice %arg2[%mul3A_2, %dma_wait3A_166] : memref<4096x128xf32, #tpu.memory_space<hbm>> -> memref<128x128xf32, #tpu.memory_space<hbm>>
    tpu.wait_dma2 semaphore(%arg16 : memref<!tpu.dma_semaphore, #tpu.memory_space<semaphore_mem>>) src(%dma_wait3A_167 : memref<128x128xf32, #tpu.memory_space<hbm>>) dst(%arg10 : memref<128x128xf32, #tpu.memory_space<vmem>>)
    %dma_wait3A_168 = arith.constant 0 : i32
    %dma_wait3A_169 = arith.constant 0 : i32
    %dma_wait3A_170 = tpu.memref_slice %arg11[%dma_wait3A_168, %dma_wait3A_169] : memref<128x128xf32, #tpu.memory_space<vmem>> -> memref<64x128xf32, #tpu.memory_space<vmem>>
    %dma_wait3A_171 = arith.constant 0 : i32
    %dma_wait3A_172 = tpu.memref_slice %arg9[%dma_wait3A_171] : memref<128xi32, #tpu.memory_space<vmem>> -> memref<64xi32, #tpu.memory_space<vmem>>
    %dma_wait3A_173 = arith.constant 0 : i32
    %dma_wait3A_174 = arith.constant 0 : i32
    %dma_wait3A_175 = tpu.memref_slice %arg5[%dma_wait3A_173, %dma_wait3A_174] : memref<4000x128xf32, #tpu.memory_space<hbm>> -> memref<4000x128xf32, #tpu.memory_space<hbm>>
    tpu.wait_indirect_dma semaphore(%arg17 : memref<!tpu.dma_semaphore, #tpu.memory_space<semaphore_mem>>) src(%dma_wait3A_175 : memref<4000x128xf32, #tpu.memory_space<hbm>>) dst(%dma_wait3A_170 : memref<64x128xf32, #tpu.memory_space<vmem>>)
    %scan3A_176 = arith.constant 0 : i32
    %scan3A_177 = arith.constant 0 : i32
    %scan3A_178 = arith.constant 64 : i32
    %scan3A_179 = arith.addi %scan3A_177, %scan3A_178 : i32
    %scan3A_180 = arith.constant 1 : i32
    %scan3A_181 = scf.for %scan3A_242 = %scan3A_177 to %scan3A_179 step %scan3A_180 iter_args(%scan3A_243 = %scan3A_176) -> (i32)  : i32 {
      %broadcast_in_dim3A_244 = arith.constant 0.000000e+00 : f32
      %broadcast_in_dim3A_245 = vector.broadcast %broadcast_in_dim3A_244 : f32 to vector<16xf32>
      %broadcast_in_dim3A_246 = arith.constant 0.000000e+00 : f32
      %broadcast_in_dim3A_247 = vector.broadcast %broadcast_in_dim3A_246 : f32 to vector<16xf32>
      %broadcast_in_dim3A_248 = arith.constant 0.000000e+00 : f32
      %broadcast_in_dim3A_249 = vector.broadcast %broadcast_in_dim3A_248 : f32 to vector<16xf32>
      %get3A_250 = arith.index_cast %scan3A_242 : i32 to index
      %get3A_251 = arith.constant 0 : index
      %get3A_252 = tpu.vector_load %arg10[%get3A_250, %get3A_251] {strides = array<i32>} : memref<128x128xf32, #tpu.memory_space<vmem>>, vector<16xf32>,
      %get3A_253 = arith.index_cast %scan3A_242 : i32 to index
      %get3A_254 = arith.constant 0 : index
      %get3A_255 = tpu.vector_load %arg11[%get3A_253, %get3A_254] {strides = array<i32>} : memref<128x128xf32, #tpu.memory_space<vmem>>, vector<16xf32>,
      %mul3A_256 = arith.mulf %get3A_252, %get3A_252 : vector<16xf32>
      %add3A_257 = arith.addf %broadcast_in_dim3A_245, %mul3A_256 : vector<16xf32>
      %mul3A_258 = arith.mulf %get3A_255, %get3A_255 : vector<16xf32>
      %add3A_259 = arith.addf %broadcast_in_dim3A_247, %mul3A_258 : vector<16xf32>
      %mul3A_260 = arith.mulf %get3A_252, %get3A_255 : vector<16xf32>
      %add3A_261 = arith.addf %broadcast_in_dim3A_249, %mul3A_260 : vector<16xf32>
      %get3A_262 = arith.index_cast %scan3A_242 : i32 to index
      %get3A_263 = arith.constant 16 : index
      %get3A_264 = tpu.vector_load %arg10[%get3A_262, %get3A_263] {strides = array<i32>} : memref<128x128xf32, #tpu.memory_space<vmem>>, vector<16xf32>,
      %get3A_265 = arith.index_cast %scan3A_242 : i32 to index
      %get3A_266 = arith.constant 16 : index
      %get3A_267 = tpu.vector_load %arg11[%get3A_265, %get3A_266] {strides = array<i32>} : memref<128x128xf32, #tpu.memory_space<vmem>>, vector<16xf32>,
      %mul3A_268 = arith.mulf %get3A_264, %get3A_264 : vector<16xf32>
      %add3A_269 = arith.addf %add3A_257, %mul3A_268 : vector<16xf32>
      %mul3A_270 = arith.mulf %get3A_267, %get3A_267 : vector<16xf32>
      %add3A_271 = arith.addf %add3A_259, %mul3A_270 : vector<16xf32>
      %mul3A_272 = arith.mulf %get3A_264, %get3A_267 : vector<16xf32>
      %add3A_273 = arith.addf %add3A_261, %mul3A_272 : vector<16xf32>
      %get3A_274 = arith.index_cast %scan3A_242 : i32 to index
      %get3A_275 = arith.constant 32 : index
      %get3A_276 = tpu.vector_load %arg10[%get3A_274, %get3A_275] {strides = array<i32>} : memref<128x128xf32, #tpu.memory_space<vmem>>, vector<16xf32>,
      %get3A_277 = arith.index_cast %scan3A_242 : i32 to index
      %get3A_278 = arith.constant 32 : index
      %get3A_279 = tpu.vector_load %arg11[%get3A_277, %get3A_278] {strides = array<i32>} : memref<128x128xf32, #tpu.memory_space<vmem>>, vector<16xf32>,
      %mul3A_280 = arith.mulf %get3A_276, %get3A_276 : vector<16xf32>
      %add3A_281 = arith.addf %add3A_269, %mul3A_280 : vector<16xf32>
      %mul3A_282 = arith.mulf %get3A_279, %get3A_279 : vector<16xf32>
      %add3A_283 = arith.addf %add3A_271, %mul3A_282 : vector<16xf32>
      %mul3A_284 = arith.mulf %get3A_276, %get3A_279 : vector<16xf32>
      %add3A_285 = arith.addf %add3A_273, %mul3A_284 : vector<16xf32>
      %get3A_286 = arith.index_cast %scan3A_242 : i32 to index
      %get3A_287 = arith.constant 48 : index
      %get3A_288 = tpu.vector_load %arg10[%get3A_286, %get3A_287] {strides = array<i32>} : memref<128x128xf32, #tpu.memory_space<vmem>>, vector<16xf32>,
      %get3A_289 = arith.index_cast %scan3A_242 : i32 to index
      %get3A_290 = arith.constant 48 : index
      %get3A_291 = tpu.vector_load %arg11[%get3A_289, %get3A_290] {strides = array<i32>} : memref<128x128xf32, #tpu.memory_space<vmem>>, vector<16xf32>,
      %mul3A_292 = arith.mulf %get3A_288, %get3A_288 : vector<16xf32>
      %add3A_293 = arith.addf %add3A_281, %mul3A_292 : vector<16xf32>
      %mul3A_294 = arith.mulf %get3A_291, %get3A_291 : vector<16xf32>
      %add3A_295 = arith.addf %add3A_283, %mul3A_294 : vector<16xf32>
      %mul3A_296 = arith.mulf %get3A_288, %get3A_291 : vector<16xf32>
      %add3A_297 = arith.addf %add3A_285, %mul3A_296 : vector<16xf32>
      %get3A_298 = arith.index_cast %scan3A_242 : i32 to index
      %get3A_299 = arith.constant 64 : index
      %get3A_300 = tpu.vector_load %arg10[%get3A_298, %get3A_299] {strides = array<i32>} : memref<128x128xf32, #tpu.memory_space<vmem>>, vector<16xf32>,
      %get3A_301 = arith.index_cast %scan3A_242 : i32 to index
      %get3A_302 = arith.constant 64 : index
      %get3A_303 = tpu.vector_load %arg11[%get3A_301, %get3A_302] {strides = array<i32>} : memref<128x128xf32, #tpu.memory_space<vmem>>, vector<16xf32>,
      %mul3A_304 = arith.mulf %get3A_300, %get3A_300 : vector<16xf32>
      %add3A_305 = arith.addf %add3A_293, %mul3A_304 : vector<16xf32>
      %mul3A_306 = arith.mulf %get3A_303, %get3A_303 : vector<16xf32>
      %add3A_307 = arith.addf %add3A_295, %mul3A_306 : vector<16xf32>
      %mul3A_308 = arith.mulf %get3A_300, %get3A_303 : vector<16xf32>
      %add3A_309 = arith.addf %add3A_297, %mul3A_308 : vector<16xf32>
      %get3A_310 = arith.index_cast %scan3A_242 : i32 to index
      %get3A_311 = arith.constant 80 : index
      %get3A_312 = tpu.vector_load %arg10[%get3A_310, %get3A_311] {strides = array<i32>} : memref<128x128xf32, #tpu.memory_space<vmem>>, vector<16xf32>,
      %get3A_313 = arith.index_cast %scan3A_242 : i32 to index
      %get3A_314 = arith.constant 80 : index
      %get3A_315 = tpu.vector_load %arg11[%get3A_313, %get3A_314] {strides = array<i32>} : memref<128x128xf32, #tpu.memory_space<vmem>>, vector<16xf32>,
      %mul3A_316 = arith.mulf %get3A_312, %get3A_312 : vector<16xf32>
      %add3A_317 = arith.addf %add3A_305, %mul3A_316 : vector<16xf32>
      %mul3A_318 = arith.mulf %get3A_315, %get3A_315 : vector<16xf32>
      %add3A_319 = arith.addf %add3A_307, %mul3A_318 : vector<16xf32>
      %mul3A_320 = arith.mulf %get3A_312, %get3A_315 : vector<16xf32>
      %add3A_321 = arith.addf %add3A_309, %mul3A_320 : vector<16xf32>
      %get3A_322 = arith.index_cast %scan3A_242 : i32 to index
      %get3A_323 = arith.constant 96 : index
      %get3A_324 = tpu.vector_load %arg10[%get3A_322, %get3A_323] {strides = array<i32>} : memref<128x128xf32, #tpu.memory_space<vmem>>, vector<16xf32>,
      %get3A_325 = arith.index_cast %scan3A_242 : i32 to index
      %get3A_326 = arith.constant 96 : index
      %get3A_327 = tpu.vector_load %arg11[%get3A_325, %get3A_326] {strides = array<i32>} : memref<128x128xf32, #tpu.memory_space<vmem>>, vector<16xf32>,
      %mul3A_328 = arith.mulf %get3A_324, %get3A_324 : vector<16xf32>
      %add3A_329 = arith.addf %add3A_317, %mul3A_328 : vector<16xf32>
      %mul3A_330 = arith.mulf %get3A_327, %get3A_327 : vector<16xf32>
      %add3A_331 = arith.addf %add3A_319, %mul3A_330 : vector<16xf32>
      %mul3A_332 = arith.mulf %get3A_324, %get3A_327 : vector<16xf32>
      %add3A_333 = arith.addf %add3A_321, %mul3A_332 : vector<16xf32>
      %get3A_334 = arith.index_cast %scan3A_242 : i32 to index
      %get3A_335 = arith.constant 112 : index
      %get3A_336 = tpu.vector_load %arg10[%get3A_334, %get3A_335] {strides = array<i32>} : memref<128x128xf32, #tpu.memory_space<vmem>>, vector<16xf32>,
      %get3A_337 = arith.index_cast %scan3A_242 : i32 to index
      %get3A_338 = arith.constant 112 : index
      %get3A_339 = tpu.vector_load %arg11[%get3A_337, %get3A_338] {strides = array<i32>} : memref<128x128xf32, #tpu.memory_space<vmem>>, vector<16xf32>,
      %mul3A_340 = arith.mulf %get3A_336, %get3A_336 : vector<16xf32>
      %add3A_341 = arith.addf %add3A_329, %mul3A_340 : vector<16xf32>
      %mul3A_342 = arith.mulf %get3A_339, %get3A_339 : vector<16xf32>
      %add3A_343 = arith.addf %add3A_331, %mul3A_342 : vector<16xf32>
      %mul3A_344 = arith.mulf %get3A_336, %get3A_339 : vector<16xf32>
      %add3A_345 = arith.addf %add3A_333, %mul3A_344 : vector<16xf32>
      %reduce_sum3A = arith.constant true
      %reduce_sum3A_346 = vector.broadcast %reduce_sum3A : i1 to vector<16xi1>
      %reduce_sum3A_347 = tpu.scan <sum>, %add3A_341 masked %reduce_sum3A_346 : vector<16xf32>, vector<16xi1> -> vector<16xf32>
      %reduce_sum3A_348 = vector.extract %reduce_sum3A_347[15] : f32 from vector<16xf32>
      %broadcast_in_dim3A_349 = vector.broadcast %reduce_sum3A_348 : f32 to vector<16xf32>
      %swap3A_350 = arith.index_cast %scan3A_242 : i32 to index
      %swap3A_351 = arith.constant 0 : index
      %swap3A_352 = tpu.vector_load %arg12[%swap3A_350, %swap3A_351] {strides = array<i32>} : memref<128x16xf32, #tpu.memory_space<vmem>>, vector<16xf32>,
      tpu.vector_store %arg12[%swap3A_350, %swap3A_351], %broadcast_in_dim3A_349 {strides = array<i32>} : memref<128x16xf32, #tpu.memory_space<vmem>>, vector<16xf32>,
      %reduce_sum3A_353 = arith.constant true
      %reduce_sum3A_354 = vector.broadcast %reduce_sum3A_353 : i1 to vector<16xi1>
      %reduce_sum3A_355 = tpu.scan <sum>, %add3A_343 masked %reduce_sum3A_354 : vector<16xf32>, vector<16xi1> -> vector<16xf32>
      %reduce_sum3A_356 = vector.extract %reduce_sum3A_355[15] : f32 from vector<16xf32>
      %broadcast_in_dim3A_357 = vector.broadcast %reduce_sum3A_356 : f32 to vector<16xf32>
      %swap3A_358 = arith.index_cast %scan3A_242 : i32 to index
      %swap3A_359 = arith.constant 0 : index
      %swap3A_360 = tpu.vector_load %arg13[%swap3A_358, %swap3A_359] {strides = array<i32>} : memref<128x16xf32, #tpu.memory_space<vmem>>, vector<16xf32>,
      tpu.vector_store %arg13[%swap3A_358, %swap3A_359], %broadcast_in_dim3A_357 {strides = array<i32>} : memref<128x16xf32, #tpu.memory_space<vmem>>, vector<16xf32>,
      %reduce_sum3A_361 = arith.constant true
      %reduce_sum3A_362 = vector.broadcast %reduce_sum3A_361 : i1 to vector<16xi1>
      %reduce_sum3A_363 = tpu.scan <sum>, %add3A_345 masked %reduce_sum3A_362 : vector<16xf32>, vector<16xi1> -> vector<16xf32>
      %reduce_sum3A_364 = vector.extract %reduce_sum3A_363[15] : f32 from vector<16xf32>
      %broadcast_in_dim3A_365 = vector.broadcast %reduce_sum3A_364 : f32 to vector<16xf32>
      %swap3A_366 = arith.index_cast %scan3A_242 : i32 to index
      %swap3A_367 = arith.constant 0 : index
      %swap3A_368 = tpu.vector_load %arg14[%swap3A_366, %swap3A_367] {strides = array<i32>} : memref<128x16xf32, #tpu.memory_space<vmem>>, vector<16xf32>,
      tpu.vector_store %arg14[%swap3A_366, %swap3A_367], %broadcast_in_dim3A_365 {strides = array<i32>} : memref<128x16xf32, #tpu.memory_space<vmem>>, vector<16xf32>,
      %scan3A_369 = arith.constant 0 : i32
      scf.yield %scan3A_369 : i32
    }
    %scan3A_182 = arith.constant 64 : i32
    %dma_wait3A_183 = arith.constant 64 : i32
    %dma_wait3A_184 = arith.constant 0 : i32
    %dma_wait3A_185 = tpu.memref_slice %arg11[%dma_wait3A_183, %dma_wait3A_184] : memref<128x128xf32, #tpu.memory_space<vmem>> -> memref<64x128xf32, #tpu.memory_space<vmem>>
    %dma_wait3A_186 = arith.constant 64 : i32
    %dma_wait3A_187 = tpu.memref_slice %arg9[%dma_wait3A_186] : memref<128xi32, #tpu.memory_space<vmem>> -> memref<64xi32, #tpu.memory_space<vmem>>
    %dma_wait3A_188 = arith.constant 0 : i32
    %dma_wait3A_189 = arith.constant 0 : i32
    %dma_wait3A_190 = tpu.memref_slice %arg5[%dma_wait3A_188, %dma_wait3A_189] : memref<4000x128xf32, #tpu.memory_space<hbm>> -> memref<4000x128xf32, #tpu.memory_space<hbm>>
    tpu.wait_indirect_dma semaphore(%arg18 : memref<!tpu.dma_semaphore, #tpu.memory_space<semaphore_mem>>) src(%dma_wait3A_190 : memref<4000x128xf32, #tpu.memory_space<hbm>>) dst(%dma_wait3A_185 : memref<64x128xf32, #tpu.memory_space<vmem>>)
    %scan3A_191 = arith.constant 0 : i32
    %scan3A_192 = arith.constant 64 : i32
    %scan3A_193 = arith.constant 64 : i32
    %scan3A_194 = arith.addi %scan3A_192, %scan3A_193 : i32
    %scan3A_195 = arith.constant 1 : i32
    %scan3A_196 = scf.for %scan3A_242 = %scan3A_192 to %scan3A_194 step %scan3A_195 iter_args(%scan3A_243 = %scan3A_191) -> (i32)  : i32 {
      %broadcast_in_dim3A_244 = arith.constant 0.000000e+00 : f32
      %broadcast_in_dim3A_245 = vector.broadcast %broadcast_in_dim3A_244 : f32 to vector<16xf32>
      %broadcast_in_dim3A_246 = arith.constant 0.000000e+00 : f32
      %broadcast_in_dim3A_247 = vector.broadcast %broadcast_in_dim3A_246 : f32 to vector<16xf32>
      %broadcast_in_dim3A_248 = arith.constant 0.000000e+00 : f32
      %broadcast_in_dim3A_249 = vector.broadcast %broadcast_in_dim3A_248 : f32 to vector<16xf32>
      %get3A_250 = arith.index_cast %scan3A_242 : i32 to index
      %get3A_251 = arith.constant 0 : index
      %get3A_252 = tpu.vector_load %arg10[%get3A_250, %get3A_251] {strides = array<i32>} : memref<128x128xf32, #tpu.memory_space<vmem>>, vector<16xf32>,
      %get3A_253 = arith.index_cast %scan3A_242 : i32 to index
      %get3A_254 = arith.constant 0 : index
      %get3A_255 = tpu.vector_load %arg11[%get3A_253, %get3A_254] {strides = array<i32>} : memref<128x128xf32, #tpu.memory_space<vmem>>, vector<16xf32>,
      %mul3A_256 = arith.mulf %get3A_252, %get3A_252 : vector<16xf32>
      %add3A_257 = arith.addf %broadcast_in_dim3A_245, %mul3A_256 : vector<16xf32>
      %mul3A_258 = arith.mulf %get3A_255, %get3A_255 : vector<16xf32>
      %add3A_259 = arith.addf %broadcast_in_dim3A_247, %mul3A_258 : vector<16xf32>
      %mul3A_260 = arith.mulf %get3A_252, %get3A_255 : vector<16xf32>
      %add3A_261 = arith.addf %broadcast_in_dim3A_249, %mul3A_260 : vector<16xf32>
      %get3A_262 = arith.index_cast %scan3A_242 : i32 to index
      %get3A_263 = arith.constant 16 : index
      %get3A_264 = tpu.vector_load %arg10[%get3A_262, %get3A_263] {strides = array<i32>} : memref<128x128xf32, #tpu.memory_space<vmem>>, vector<16xf32>,
      %get3A_265 = arith.index_cast %scan3A_242 : i32 to index
      %get3A_266 = arith.constant 16 : index
      %get3A_267 = tpu.vector_load %arg11[%get3A_265, %get3A_266] {strides = array<i32>} : memref<128x128xf32, #tpu.memory_space<vmem>>, vector<16xf32>,
      %mul3A_268 = arith.mulf %get3A_264, %get3A_264 : vector<16xf32>
      %add3A_269 = arith.addf %add3A_257, %mul3A_268 : vector<16xf32>
      %mul3A_270 = arith.mulf %get3A_267, %get3A_267 : vector<16xf32>
      %add3A_271 = arith.addf %add3A_259, %mul3A_270 : vector<16xf32>
      %mul3A_272 = arith.mulf %get3A_264, %get3A_267 : vector<16xf32>
      %add3A_273 = arith.addf %add3A_261, %mul3A_272 : vector<16xf32>
      %get3A_274 = arith.index_cast %scan3A_242 : i32 to index
      %get3A_275 = arith.constant 32 : index
      %get3A_276 = tpu.vector_load %arg10[%get3A_274, %get3A_275] {strides = array<i32>} : memref<128x128xf32, #tpu.memory_space<vmem>>, vector<16xf32>,
      %get3A_277 = arith.index_cast %scan3A_242 : i32 to index
      %get3A_278 = arith.constant 32 : index
      %get3A_279 = tpu.vector_load %arg11[%get3A_277, %get3A_278] {strides = array<i32>} : memref<128x128xf32, #tpu.memory_space<vmem>>, vector<16xf32>,
      %mul3A_280 = arith.mulf %get3A_276, %get3A_276 : vector<16xf32>
      %add3A_281 = arith.addf %add3A_269, %mul3A_280 : vector<16xf32>
      %mul3A_282 = arith.mulf %get3A_279, %get3A_279 : vector<16xf32>
      %add3A_283 = arith.addf %add3A_271, %mul3A_282 : vector<16xf32>
      %mul3A_284 = arith.mulf %get3A_276, %get3A_279 : vector<16xf32>
      %add3A_285 = arith.addf %add3A_273, %mul3A_284 : vector<16xf32>
      %get3A_286 = arith.index_cast %scan3A_242 : i32 to index
      %get3A_287 = arith.constant 48 : index
      %get3A_288 = tpu.vector_load %arg10[%get3A_286, %get3A_287] {strides = array<i32>} : memref<128x128xf32, #tpu.memory_space<vmem>>, vector<16xf32>,
      %get3A_289 = arith.index_cast %scan3A_242 : i32 to index
      %get3A_290 = arith.constant 48 : index
      %get3A_291 = tpu.vector_load %arg11[%get3A_289, %get3A_290] {strides = array<i32>} : memref<128x128xf32, #tpu.memory_space<vmem>>, vector<16xf32>,
      %mul3A_292 = arith.mulf %get3A_288, %get3A_288 : vector<16xf32>
      %add3A_293 = arith.addf %add3A_281, %mul3A_292 : vector<16xf32>
      %mul3A_294 = arith.mulf %get3A_291, %get3A_291 : vector<16xf32>
      %add3A_295 = arith.addf %add3A_283, %mul3A_294 : vector<16xf32>
      %mul3A_296 = arith.mulf %get3A_288, %get3A_291 : vector<16xf32>
      %add3A_297 = arith.addf %add3A_285, %mul3A_296 : vector<16xf32>
      %get3A_298 = arith.index_cast %scan3A_242 : i32 to index
      %get3A_299 = arith.constant 64 : index
      %get3A_300 = tpu.vector_load %arg10[%get3A_298, %get3A_299] {strides = array<i32>} : memref<128x128xf32, #tpu.memory_space<vmem>>, vector<16xf32>,
      %get3A_301 = arith.index_cast %scan3A_242 : i32 to index
      %get3A_302 = arith.constant 64 : index
      %get3A_303 = tpu.vector_load %arg11[%get3A_301, %get3A_302] {strides = array<i32>} : memref<128x128xf32, #tpu.memory_space<vmem>>, vector<16xf32>,
      %mul3A_304 = arith.mulf %get3A_300, %get3A_300 : vector<16xf32>
      %add3A_305 = arith.addf %add3A_293, %mul3A_304 : vector<16xf32>
      %mul3A_306 = arith.mulf %get3A_303, %get3A_303 : vector<16xf32>
      %add3A_307 = arith.addf %add3A_295, %mul3A_306 : vector<16xf32>
      %mul3A_308 = arith.mulf %get3A_300, %get3A_303 : vector<16xf32>
      %add3A_309 = arith.addf %add3A_297, %mul3A_308 : vector<16xf32>
      %get3A_310 = arith.index_cast %scan3A_242 : i32 to index
      %get3A_311 = arith.constant 80 : index
      %get3A_312 = tpu.vector_load %arg10[%get3A_310, %get3A_311] {strides = array<i32>} : memref<128x128xf32, #tpu.memory_space<vmem>>, vector<16xf32>,
      %get3A_313 = arith.index_cast %scan3A_242 : i32 to index
      %get3A_314 = arith.constant 80 : index
      %get3A_315 = tpu.vector_load %arg11[%get3A_313, %get3A_314] {strides = array<i32>} : memref<128x128xf32, #tpu.memory_space<vmem>>, vector<16xf32>,
      %mul3A_316 = arith.mulf %get3A_312, %get3A_312 : vector<16xf32>
      %add3A_317 = arith.addf %add3A_305, %mul3A_316 : vector<16xf32>
      %mul3A_318 = arith.mulf %get3A_315, %get3A_315 : vector<16xf32>
      %add3A_319 = arith.addf %add3A_307, %mul3A_318 : vector<16xf32>
      %mul3A_320 = arith.mulf %get3A_312, %get3A_315 : vector<16xf32>
      %add3A_321 = arith.addf %add3A_309, %mul3A_320 : vector<16xf32>
      %get3A_322 = arith.index_cast %scan3A_242 : i32 to index
      %get3A_323 = arith.constant 96 : index
      %get3A_324 = tpu.vector_load %arg10[%get3A_322, %get3A_323] {strides = array<i32>} : memref<128x128xf32, #tpu.memory_space<vmem>>, vector<16xf32>,
      %get3A_325 = arith.index_cast %scan3A_242 : i32 to index
      %get3A_326 = arith.constant 96 : index
      %get3A_327 = tpu.vector_load %arg11[%get3A_325, %get3A_326] {strides = array<i32>} : memref<128x128xf32, #tpu.memory_space<vmem>>, vector<16xf32>,
      %mul3A_328 = arith.mulf %get3A_324, %get3A_324 : vector<16xf32>
      %add3A_329 = arith.addf %add3A_317, %mul3A_328 : vector<16xf32>
      %mul3A_330 = arith.mulf %get3A_327, %get3A_327 : vector<16xf32>
      %add3A_331 = arith.addf %add3A_319, %mul3A_330 : vector<16xf32>
      %mul3A_332 = arith.mulf %get3A_324, %get3A_327 : vector<16xf32>
      %add3A_333 = arith.addf %add3A_321, %mul3A_332 : vector<16xf32>
      %get3A_334 = arith.index_cast %scan3A_242 : i32 to index
      %get3A_335 = arith.constant 112 : index
      %get3A_336 = tpu.vector_load %arg10[%get3A_334, %get3A_335] {strides = array<i32>} : memref<128x128xf32, #tpu.memory_space<vmem>>, vector<16xf32>,
      %get3A_337 = arith.index_cast %scan3A_242 : i32 to index
      %get3A_338 = arith.constant 112 : index
      %get3A_339 = tpu.vector_load %arg11[%get3A_337, %get3A_338] {strides = array<i32>} : memref<128x128xf32, #tpu.memory_space<vmem>>, vector<16xf32>,
      %mul3A_340 = arith.mulf %get3A_336, %get3A_336 : vector<16xf32>
      %add3A_341 = arith.addf %add3A_329, %mul3A_340 : vector<16xf32>
      %mul3A_342 = arith.mulf %get3A_339, %get3A_339 : vector<16xf32>
      %add3A_343 = arith.addf %add3A_331, %mul3A_342 : vector<16xf32>
      %mul3A_344 = arith.mulf %get3A_336, %get3A_339 : vector<16xf32>
      %add3A_345 = arith.addf %add3A_333, %mul3A_344 : vector<16xf32>
      %reduce_sum3A = arith.constant true
      %reduce_sum3A_346 = vector.broadcast %reduce_sum3A : i1 to vector<16xi1>
      %reduce_sum3A_347 = tpu.scan <sum>, %add3A_341 masked %reduce_sum3A_346 : vector<16xf32>, vector<16xi1> -> vector<16xf32>
      %reduce_sum3A_348 = vector.extract %reduce_sum3A_347[15] : f32 from vector<16xf32>
      %broadcast_in_dim3A_349 = vector.broadcast %reduce_sum3A_348 : f32 to vector<16xf32>
      %swap3A_350 = arith.index_cast %scan3A_242 : i32 to index
      %swap3A_351 = arith.constant 0 : index
      %swap3A_352 = tpu.vector_load %arg12[%swap3A_350, %swap3A_351] {strides = array<i32>} : memref<128x16xf32, #tpu.memory_space<vmem>>, vector<16xf32>,
      tpu.vector_store %arg12[%swap3A_350, %swap3A_351], %broadcast_in_dim3A_349 {strides = array<i32>} : memref<128x16xf32, #tpu.memory_space<vmem>>, vector<16xf32>,
      %reduce_sum3A_353 = arith.constant true
      %reduce_sum3A_354 = vector.broadcast %reduce_sum3A_353 : i1 to vector<16xi1>
      %reduce_sum3A_355 = tpu.scan <sum>, %add3A_343 masked %reduce_sum3A_354 : vector<16xf32>, vector<16xi1> -> vector<16xf32>
      %reduce_sum3A_356 = vector.extract %reduce_sum3A_355[15] : f32 from vector<16xf32>
      %broadcast_in_dim3A_357 = vector.broadcast %reduce_sum3A_356 : f32 to vector<16xf32>
      %swap3A_358 = arith.index_cast %scan3A_242 : i32 to index
      %swap3A_359 = arith.constant 0 : index
      %swap3A_360 = tpu.vector_load %arg13[%swap3A_358, %swap3A_359] {strides = array<i32>} : memref<128x16xf32, #tpu.memory_space<vmem>>, vector<16xf32>,
      tpu.vector_store %arg13[%swap3A_358, %swap3A_359], %broadcast_in_dim3A_357 {strides = array<i32>} : memref<128x16xf32, #tpu.memory_space<vmem>>, vector<16xf32>,
      %reduce_sum3A_361 = arith.constant true
      %reduce_sum3A_362 = vector.broadcast %reduce_sum3A_361 : i1 to vector<16xi1>
      %reduce_sum3A_363 = tpu.scan <sum>, %add3A_345 masked %reduce_sum3A_362 : vector<16xf32>, vector<16xi1> -> vector<16xf32>
      %reduce_sum3A_364 = vector.extract %reduce_sum3A_363[15] : f32 from vector<16xf32>
      %broadcast_in_dim3A_365 = vector.broadcast %reduce_sum3A_364 : f32 to vector<16xf32>
      %swap3A_366 = arith.index_cast %scan3A_242 : i32 to index
      %swap3A_367 = arith.constant 0 : index
      %swap3A_368 = tpu.vector_load %arg14[%swap3A_366, %swap3A_367] {strides = array<i32>} : memref<128x16xf32, #tpu.memory_space<vmem>>, vector<16xf32>,
      tpu.vector_store %arg14[%swap3A_366, %swap3A_367], %broadcast_in_dim3A_365 {strides = array<i32>} : memref<128x16xf32, #tpu.memory_space<vmem>>, vector<16xf32>,
      %scan3A_369 = arith.constant 0 : i32
      scf.yield %scan3A_369 : i32
    }
    %scan3A_197 = arith.constant 64 : i32
    %iota3A = tpu.iota {dimensions = array<i32: 0>} : vector<16xi32>
    %broadcast_in_dim3A = arith.constant 0.000000e+00 : f32
    %broadcast_in_dim3A_198 = vector.broadcast %broadcast_in_dim3A : f32 to vector<16xf32>
    %scan3A_199 = arith.constant 0 : i32
    %scan3A_200 = arith.constant 8 : i32
    %scan3A_201 = arith.addi %scan3A_199, %scan3A_200 : i32
    %scan3A_202 = arith.constant 1 : i32
    %scan3A_203 = scf.for %scan3A_242 = %scan3A_199 to %scan3A_201 step %scan3A_202 iter_args(%scan3A_243 = %broadcast_in_dim3A_198) -> (vector<16xf32>)  : i32 {
      %mul3A_244 = arith.constant 16 : i32
      %mul3A_245 = arith.muli %scan3A_242, %mul3A_244 : i32
      %add3A_246 = vector.broadcast %mul3A_245 : i32 to vector<16xi32>
      %add3A_247 = arith.addi %add3A_246, %iota3A : vector<16xi32>
      %gather3A = tpu.vector_load_idx %arg12[%add3A_247, %iota3A] : memref<128x16xf32, #tpu.memory_space<vmem>>[vector<16xi32>, vector<16xi32>], vector<16xf32>,
      %gather3A_248 = tpu.vector_load_idx %arg13[%add3A_247, %iota3A] : memref<128x16xf32, #tpu.memory_space<vmem>>[vector<16xi32>, vector<16xi32>], vector<16xf32>,
      %gather3A_249 = tpu.vector_load_idx %arg14[%add3A_247, %iota3A] : memref<128x16xf32, #tpu.memory_space<vmem>>[vector<16xi32>, vector<16xi32>], vector<16xf32>,
      %max3A = arith.constant 1.000000e-24 : f32
      %max3A_250 = vector.broadcast %max3A : f32 to vector<16xf32>
      %max3A_251 = arith.maximumf %gather3A, %max3A_250 : vector<16xf32>
      %bitcast3A = vector.bitcast %max3A_251 : vector<16xf32> to vector<16xi32>
      %shift_right_logical3A = arith.constant 1 : i32
      %shift_right_logical3A_252 = vector.broadcast %shift_right_logical3A : i32 to vector<16xi32>
      %shift_right_logical3A_253 = arith.shrui %bitcast3A, %shift_right_logical3A_252 : vector<16xi32>
      %sub3A_254 = arith.constant 1597463007 : i32
      %sub3A_255 = vector.broadcast %sub3A_254 : i32 to vector<16xi32>
      %sub3A_256 = arith.subi %sub3A_255, %shift_right_logical3A_253 : vector<16xi32>
      %bitcast3A_257 = vector.bitcast %sub3A_256 : vector<16xi32> to vector<16xf32>
      %mul3A_258 = arith.constant 5.000000e-01 : f32
      %mul3A_259 = vector.broadcast %mul3A_258 : f32 to vector<16xf32>
      %mul3A_260 = arith.mulf %mul3A_259, %max3A_251 : vector<16xf32>
      %mul3A_261 = arith.mulf %mul3A_260, %bitcast3A_257 : vector<16xf32>
      %mul3A_262 = arith.mulf %mul3A_261, %bitcast3A_257 : vector<16xf32>
      %sub3A_263 = arith.constant 1.500000e+00 : f32
      %sub3A_264 = vector.broadcast %sub3A_263 : f32 to vector<16xf32>
      %sub3A_265 = arith.subf %sub3A_264, %mul3A_262 : vector<16xf32>
      %mul3A_266 = arith.mulf %bitcast3A_257, %sub3A_265 : vector<16xf32>
      %mul3A_267 = arith.mulf %mul3A_260, %mul3A_266 : vector<16xf32>
      %mul3A_268 = arith.mulf %mul3A_267, %mul3A_266 : vector<16xf32>
      %sub3A_269 = arith.constant 1.500000e+00 : f32
      %sub3A_270 = vector.broadcast %sub3A_269 : f32 to vector<16xf32>
      %sub3A_271 = arith.subf %sub3A_270, %mul3A_268 : vector<16xf32>
      %mul3A_272 = arith.mulf %mul3A_266, %sub3A_271 : vector<16xf32>
      %mul3A_273 = arith.mulf %mul3A_260, %mul3A_272 : vector<16xf32>
      %mul3A_274 = arith.mulf %mul3A_273, %mul3A_272 : vector<16xf32>
      %sub3A_275 = arith.constant 1.500000e+00 : f32
      %sub3A_276 = vector.broadcast %sub3A_275 : f32 to vector<16xf32>
      %sub3A_277 = arith.subf %sub3A_276, %mul3A_274 : vector<16xf32>
      %mul3A_278 = arith.mulf %mul3A_272, %sub3A_277 : vector<16xf32>
      %max3A_279 = arith.constant 1.000000e-24 : f32
      %max3A_280 = vector.broadcast %max3A_279 : f32 to vector<16xf32>
      %max3A_281 = arith.maximumf %gather3A_248, %max3A_280 : vector<16xf32>
      %bitcast3A_282 = vector.bitcast %max3A_281 : vector<16xf32> to vector<16xi32>
      %shift_right_logical3A_283 = arith.constant 1 : i32
      %shift_right_logical3A_284 = vector.broadcast %shift_right_logical3A_283 : i32 to vector<16xi32>
      %shift_right_logical3A_285 = arith.shrui %bitcast3A_282, %shift_right_logical3A_284 : vector<16xi32>
      %sub3A_286 = arith.constant 1597463007 : i32
      %sub3A_287 = vector.broadcast %sub3A_286 : i32 to vector<16xi32>
      %sub3A_288 = arith.subi %sub3A_287, %shift_right_logical3A_285 : vector<16xi32>
      %bitcast3A_289 = vector.bitcast %sub3A_288 : vector<16xi32> to vector<16xf32>
      %mul3A_290 = arith.constant 5.000000e-01 : f32
      %mul3A_291 = vector.broadcast %mul3A_290 : f32 to vector<16xf32>
      %mul3A_292 = arith.mulf %mul3A_291, %max3A_281 : vector<16xf32>
      %mul3A_293 = arith.mulf %mul3A_292, %bitcast3A_289 : vector<16xf32>
      %mul3A_294 = arith.mulf %mul3A_293, %bitcast3A_289 : vector<16xf32>
      %sub3A_295 = arith.constant 1.500000e+00 : f32
      %sub3A_296 = vector.broadcast %sub3A_295 : f32 to vector<16xf32>
      %sub3A_297 = arith.subf %sub3A_296, %mul3A_294 : vector<16xf32>
      %mul3A_298 = arith.mulf %bitcast3A_289, %sub3A_297 : vector<16xf32>
      %mul3A_299 = arith.mulf %mul3A_292, %mul3A_298 : vector<16xf32>
      %mul3A_300 = arith.mulf %mul3A_299, %mul3A_298 : vector<16xf32>
      %sub3A_301 = arith.constant 1.500000e+00 : f32
      %sub3A_302 = vector.broadcast %sub3A_301 : f32 to vector<16xf32>
      %sub3A_303 = arith.subf %sub3A_302, %mul3A_300 : vector<16xf32>
      %mul3A_304 = arith.mulf %mul3A_298, %sub3A_303 : vector<16xf32>
      %mul3A_305 = arith.mulf %mul3A_292, %mul3A_304 : vector<16xf32>
      %mul3A_306 = arith.mulf %mul3A_305, %mul3A_304 : vector<16xf32>
      %sub3A_307 = arith.constant 1.500000e+00 : f32
      %sub3A_308 = vector.broadcast %sub3A_307 : f32 to vector<16xf32>
      %sub3A_309 = arith.subf %sub3A_308, %mul3A_306 : vector<16xf32>
      %mul3A_310 = arith.mulf %mul3A_304, %sub3A_309 : vector<16xf32>
      %mul3A_311 = arith.mulf %gather3A, %mul3A_278 : vector<16xf32>
      %mul3A_312 = arith.mulf %mul3A_311, %mul3A_278 : vector<16xf32>
      %mul3A_313 = arith.constant 2.000000e+00 : f32
      %mul3A_314 = vector.broadcast %mul3A_313 : f32 to vector<16xf32>
      %mul3A_315 = arith.mulf %mul3A_314, %gather3A_249 : vector<16xf32>
      %mul3A_316 = arith.mulf %mul3A_278, %mul3A_310 : vector<16xf32>
      %mul3A_317 = arith.mulf %mul3A_315, %mul3A_316 : vector<16xf32>
      %sub3A_318 = arith.subf %mul3A_312, %mul3A_317 : vector<16xf32>
      %mul3A_319 = arith.mulf %gather3A_248, %mul3A_310 : vector<16xf32>
      %mul3A_320 = arith.mulf %mul3A_319, %mul3A_310 : vector<16xf32>
      %add3A_321 = arith.addf %sub3A_318, %mul3A_320 : vector<16xf32>
      %max3A_322 = arith.constant 9.99999996E-13 : f32
      %max3A_323 = vector.broadcast %max3A_322 : f32 to vector<16xf32>
      %max3A_324 = arith.maximumf %add3A_321, %max3A_323 : vector<16xf32>
      %min3A = arith.constant 9.99999995E+11 : f32
      %min3A_325 = vector.broadcast %min3A : f32 to vector<16xf32>
      %min3A_326 = arith.minimumf %max3A_324, %min3A_325 : vector<16xf32>
      %add3A_327 = arith.addf %scan3A_243, %min3A_326 : vector<16xf32>
      scf.yield %add3A_327 : vector<16xf32>
    }
    %scan3A_204 = arith.constant 8 : i32
    %mul3A_205 = arith.constant 2.44140625E-4 : f32
    %mul3A_206 = vector.broadcast %mul3A_205 : f32 to vector<16xf32>
    %mul3A_207 = arith.mulf %scan3A_203, %mul3A_206 : vector<16xf32>
    %swap3A_208 = arith.constant 0 : index
    %swap3A_209 = tpu.vector_load %arg15[%swap3A_208] {strides = array<i32>} : memref<16xf32, #tpu.memory_space<vmem>>, vector<16xf32>,
    tpu.vector_store %arg15[%swap3A_208], %mul3A_207 {strides = array<i32>} : memref<16xf32, #tpu.memory_space<vmem>>, vector<16xf32>,
    %jit3A = arith.constant 8 : i32
    %div3A = arith.divsi %add3A, %jit3A : i32
    %sign3A = arith.constant 0 : i32
    %sign3A_210 = arith.cmpi sgt, %add3A, %sign3A : i32
    %sign3A_211 = arith.extui %sign3A_210 : i1 to i32
    %sign3A_212 = arith.constant 0 : i32
    %sign3A_213 = arith.cmpi slt, %add3A, %sign3A_212 : i32
    %sign3A_214 = arith.extui %sign3A_213 : i1 to i32
    %sign3A_215 = arith.subi %sign3A_211, %sign3A_214 : i32
    %sign3A_216 = arith.constant 0 : i32
    %sign3A_217 = arith.cmpi sgt, %jit3A, %sign3A_216 : i32
    %sign3A_218 = arith.extui %sign3A_217 : i1 to i32
    %sign3A_219 = arith.constant 0 : i32
    %sign3A_220 = arith.cmpi slt, %jit3A, %sign3A_219 : i32
    %sign3A_221 = arith.extui %sign3A_220 : i1 to i32
    %sign3A_222 = arith.subi %sign3A_218, %sign3A_221 : i32
    %ne3A = arith.cmpi ne, %sign3A_215, %sign3A_222 : i32
    %rem3A = arith.remsi %add3A, %jit3A : i32
    %ne3A_223 = arith.constant 0 : i32
    %ne3A_224 = arith.cmpi ne, %rem3A, %ne3A_223 : i32
    %and3A = arith.andi %ne3A, %ne3A_224 : i1
    %sub3A = arith.constant 1 : i32
    %sub3A_225 = arith.subi %div3A, %sub3A : i32
    %select_n3A = arith.select %and3A, %sub3A_225, %div3A : i32
    %jit3A_226 = arith.constant 8 : i32
    %eq3A = arith.constant 0 : i32
    %eq3A_227 = arith.cmpi eq, %jit3A_226, %eq3A : i32
    %jit3A_228 = arith.constant 1 : i32
    %select_n3A_229 = arith.select %eq3A_227, %jit3A_228, %jit3A_226 : i32
    %rem3A_230 = arith.remsi %add3A, %select_n3A_229 : i32
    %ne3A_231 = arith.constant 0 : i32
    %ne3A_232 = arith.cmpi ne, %rem3A_230, %ne3A_231 : i32
    %lt3A = arith.constant 0 : i32
    %lt3A_233 = arith.cmpi slt, %rem3A_230, %lt3A : i32
    %lt3A_234 = arith.constant 0 : i32
    %lt3A_235 = arith.cmpi slt, %select_n3A_229, %lt3A_234 : i32
    %ne3A_236 = arith.xori %lt3A_233, %lt3A_235 : i1
    %and3A_237 = arith.andi %ne3A_236, %ne3A_232 : i1
    %add3A_238 = arith.addi %rem3A_230, %select_n3A_229 : i32
    %select_n3A_239 = arith.select %and3A_237, %add3A_238, %rem3A_230 : i32
    %mul3A_240 = arith.constant 16 : i32
    %mul3A_241 = arith.muli %select_n3A_239, %mul3A_240 : i32
    "tpu.region"() ({
      %run_scoped3A = tpu.sem_alloc : memref<!tpu.dma_semaphore, #tpu.memory_space<semaphore_mem>>
      %dma_start3A_242 = tpu.memref_slice %arg6[%select_n3A, %mul3A_241] : memref<4x128xf32, #tpu.memory_space<hbm>> -> memref<1x16xf32, #tpu.memory_space<hbm>>
      %dma_start3A_243 = tpu.memref_squeeze %dma_start3A_242 : memref<1x16xf32, #tpu.memory_space<hbm>> -> memref<16xf32, #tpu.memory_space<hbm>>
      %dma_start3A_244 = tpu.memref_slice %arg6[%select_n3A, %mul3A_241] : memref<4x128xf32, #tpu.memory_space<hbm>> -> memref<1x16xf32, #tpu.memory_space<hbm>>
      %dma_start3A_245 = tpu.memref_squeeze %dma_start3A_244 : memref<1x16xf32, #tpu.memory_space<hbm>> -> memref<16xf32, #tpu.memory_space<hbm>>
      tpu.enqueue_dma source(%arg15 : memref<16xf32, #tpu.memory_space<vmem>>) target(%dma_start3A_245 : memref<16xf32, #tpu.memory_space<hbm>>) target_semaphore(%run_scoped3A : memref<!tpu.dma_semaphore, #tpu.memory_space<semaphore_mem>>)
      %dma_wait3A_246 = tpu.memref_slice %arg6[%select_n3A, %mul3A_241] : memref<4x128xf32, #tpu.memory_space<hbm>> -> memref<1x16xf32, #tpu.memory_space<hbm>>
      %dma_wait3A_247 = tpu.memref_squeeze %dma_wait3A_246 : memref<1x16xf32, #tpu.memory_space<hbm>> -> memref<16xf32, #tpu.memory_space<hbm>>
      %dma_wait3A_248 = tpu.memref_slice %arg6[%select_n3A, %mul3A_241] : memref<4x128xf32, #tpu.memory_space<hbm>> -> memref<1x16xf32, #tpu.memory_space<hbm>>
      %dma_wait3A_249 = tpu.memref_squeeze %dma_wait3A_248 : memref<1x16xf32, #tpu.memory_space<hbm>> -> memref<16xf32, #tpu.memory_space<hbm>>
      tpu.wait_dma2 semaphore(%run_scoped3A : memref<!tpu.dma_semaphore, #tpu.memory_space<semaphore_mem>>) src(%arg15 : memref<16xf32, #tpu.memory_space<vmem>>) dst(%dma_wait3A_249 : memref<16xf32, #tpu.memory_space<hbm>>)
      tpu.yield
    }) : () -> ()
    return
  }
}

</mosaic_0001>

<sc_bundles>
// kernel: _center_loss_sc.3.cloned.1.call-start
scs
__scs_entry_jumppad:
0x0: {  	(pc) =	sbr.rel $0x88, $3  }
0x1: {  	(tag) =	ssettag $0x0;
	lr =	simm.s32 $0x1  }
0x2: {  	[smem:$0x3F9D] =	sst lr;
	_ =	strace $0xD0000000  }
0x3: {  	_ = 	snop  }
0x4: {  	_ = 	snop  }
0x5: {  	_ = 	snop  }
0x6: {  	_ = 	snop  }
0x7: {  	_ = 	snop  }
__scs_overlays_trampoline_lowered:
0x8: {  	[smem:$0x3FAC] =	sst s0  }
0x9: {  	[smem:$0x3FAD] =	sst s1  }
0xa: {  	[smem:$0x3FAE] =	sst s2  }
0xb: {  	[smem:$0x3FAF] =	sst s3  }
0xc: {  	[smem:$0x3FB0] =	sst s4  }
0xd: {  	[smem:$0x3FB1] =	sst s5  }
0xe: {  	[smem:$0x3FB2] =	sst s6  }
0xf: {  	[smem:$0x3FB3] =	sst s7  }
0x10: {  	[smem:$0x3FB4] =	sst s8  }
0x11: {  	[smem:$0x3FB5] =	sst s9;
	s0 =	simm.s32 @!p0 $0x0  }
0x12: {  	s1 =	sld [smem:$0x3F9B];
	s0 =	simm.s32 @p0 $0x1  }
0x13: {  	[smem:$0x3FB6] =	sst s0;
	s0 =	simm.s32 @!p1 $0x0  }
0x14: {  	s2 =	sld [smem:$0x3F9A];
	s0 =	simm.s32 @p1 $0x1  }
0x15: {  	[smem:$0x3FB7] =	sst s0;
	s0 =	simm.s32 @!p2 $0x0  }
0x16: {  	s3 =	sld [smem:$0x3FDB];
	s0 =	simm.s32 @p2 $0x1  }
0x17: {  	s4 =	simm.s32 $0x1BF5;
	[smem:$0x3FB9] =	sst s0  }
0x18: {  	s0 =	sld [smem:$0x3F9C];
	_ =	swait.ge [sflag:s4], $0x0  }
0x19: {  	s7 =	sld [smem:$0x3F9D]  }
0x1a: {  	s8 =	sadd.s32 $0xFFFFE003, lr  }
0x1b: {  	s9 =	sadd.s32 $0xFFFFFEF7, lr;
	s5 =	simm.s32 $0xFFFFFFFF;
	p2 =	slt.u32 s8, $0xFFFFF086  }
0x1c: {  	p1 =	slt.u32 s9, $0xF7A;
	s5 =	simm.s32 @!p2 $0x0  }
0x1d: {  	s5 =	simm.s32 @p1 $0x1;
	p0 =	seq.s32 s7, s2  }
0x1e: {  	s7 =	smul.u32 @!p0 $0xF7A, s2;
	p2 =	seq.s32 @!p0 s5, $0x0  }
0x1f: {  	s9 =	smul.u32 $0xF7A, s1;
	s8 =	simm.s32 @!p0 $0x1BF5;
	p2 =	por !p2, p0  }
0x20: {  	[sflag:s8] =	ssyncset.s32 @!p0 $0xFFFFF086;
	s6 =	sadd.s32 @!p0 s3, s7;
	s7 =	simm.s32 @!p0 $0x108  }
0x21: {  	s3 =	sadd.s32 s3, s9;
	s6 =	sadd.s32 @!p0 $0x88, s6;
	s7 =	simm.s32 @p2 $0x1082  }
0x22: {  	[simem:s7], [sflag:s8] =	dma.local @!p0 [hbm:s6], $0xF7A  }
0x23: {  	s9 =	sor.u32 $0xD0000000, s2;
	s6 =	simm.s32 $0x108;
	_ =	swait.ge @!p0 [sflag:s8], $0x0  }
0x24: {  	s3 =	sadd.s32 $0x88, s3;
	s6 =	simm.s32 @!p1 $0x1082;
	[sflag:s4] =	ssyncset.s32 $0xFFFFF086  }
0x25: {  	[simem:s6], [sflag:s4] =	dma.local [hbm:s3], $0xF7A  }
0x26: {  	[smem:$0x3F9D] =	sst s1;
	(tag) =	ssettag s2;
	_ =	strace s9  }
0x27: {  	s1 =	sld [smem:$0x3FAD]  }
0x28: {  	s2 =	sld [smem:$0x3FAE]  }
0x29: {  	s4 =	sld [smem:$0x3FB0]  }
0x2a: {  	p0 =	seq.s32 s5, $0x0;
	s5 =	sld [smem:$0x3FB1]  }
0x2b: {  	s6 =	sld [smem:$0x3FB2]  }
0x2c: {  	s7 =	sld [smem:$0x3FB3]  }
0x2d: {  	s3 =	simm.s32 $0x108;
	s8 =	sld [smem:$0x3FB4]  }
0x2e: {  	s3 =	simm.s32 @!p0 $0x1082;
	s9 =	sld [smem:$0x3FB5]  }
0x2f: {  	lr =	sadd.s32 s0, s3;
	s0 =	sld [smem:$0x3FAC]  }
0x30: {  	s3 =	sld [smem:$0x3FAF]  }
0x31: {  	[smem:$0x3FB8] =	sst s10  }
0x32: {  	s10 =	sld [smem:$0x3FB6];
	_ =	sdelay $0x3  }
0x33: {  	p0 =	seq.s32 s10, $0x1;
	s10 =	sld [smem:$0x3FB8];
	_ =	sdelay $0x3  }
0x34: {  	[smem:$0x3FB8] =	sst s10  }
0x35: {  	s10 =	sld [smem:$0x3FB7];
	_ =	sdelay $0x3  }
0x36: {  	p1 =	seq.s32 s10, $0x1;
	s10 =	sld [smem:$0x3FB8];
	_ =	sdelay $0x3  }
0x37: {  	[smem:$0x3FB8] =	sst s10  }
0x38: {  	s10 =	sld [smem:$0x3FB9]  }
0x39: {  	_ = 	snop;
	(pc) =	sbr.ind lr, $3  }
0x3a: {  	_ = 	snop  }
0x3b: {  	_ = 	snop  }
0x3c: {  	p2 =	seq.s32 s10, $0x1;
	s10 =	sld [smem:$0x3FB8]  }
0x3d: {  	_ =	shalt  }
0x3e: {  	_ =	shalt  }
0x3f: {  	_ =	shalt  }
0x40: {  	_ =	shalt  }
0x41: {  	_ =	shalt  }
0x42: {  	_ =	shalt  }
0x43: {  	_ =	shalt  }
0x44: {  	_ =	shalt  }
0x45: {  	_ =	shalt  }
0x46: {  	_ =	shalt  }
0x47: {  	_ =	shalt  }
0x48: {  	_ =	shalt  }
0x49: {  	_ =	shalt  }
0x4a: {  	_ =	shalt  }
0x4b: {  	_ =	shalt  }
0x4c: {  	_ =	shalt  }
0x4d: {  	_ =	shalt  }
0x4e: {  	_ =	shalt  }
0x4f: {  	_ =	shalt  }
0x50: {  	_ =	shalt  }
0x51: {  	_ =	shalt  }
0x52: {  	_ =	shalt  }
0x53: {  	_ =	shalt  }
0x54: {  	_ =	shalt  }
0x55: {  	_ =	shalt  }
0x56: {  	_ =	shalt  }
0x57: {  	_ =	shalt  }
0x58: {  	_ =	shalt  }
0x59: {  	_ =	shalt  }
0x5a: {  	_ =	shalt  }
0x5b: {  	_ =	shalt  }
0x5c: {  	_ =	shalt  }
0x5d: {  	_ =	shalt  }
0x5e: {  	_ =	shalt  }
0x5f: {  	_ =	shalt  }
0x60: {  	_ =	shalt  }
0x61: {  	_ =	shalt  }
0x62: {  	_ =	shalt  }
0x63: {  	_ =	shalt  }
0x64: {  	_ =	shalt  }
0x65: {  	_ =	shalt  }
0x66: {  	_ =	shalt  }
0x67: {  	_ =	shalt  }
0x68: {  	_ =	shalt  }
0x69: {  	_ =	shalt  }
0x6a: {  	_ =	shalt  }
0x6b: {  	_ =	shalt  }
0x6c: {  	_ =	shalt  }
0x6d: {  	_ =	shalt  }
0x6e: {  	_ =	shalt  }
0x6f: {  	_ =	shalt  }
0x70: {  	_ =	shalt  }
0x71: {  	_ =	shalt  }
0x72: {  	_ =	shalt  }
0x73: {  	_ =	shalt  }
0x74: {  	_ =	shalt  }
0x75: {  	_ =	shalt  }
0x76: {  	_ =	shalt  }
0x77: {  	_ =	shalt  }
0x78: {  	_ =	shalt  }
0x79: {  	_ =	shalt  }
0x7a: {  	_ =	shalt  }
0x7b: {  	_ =	shalt  }
0x7c: {  	_ =	shalt  }
0x7d: {  	_ =	shalt  }
0x7e: {  	_ =	shalt  }
0x7f: {  	_ =	shalt  }
0x80: {  	_ =	shalt  }
0x81: {  	_ =	shalt  }
0x82: {  	_ =	shalt  }
0x83: {  	_ =	shalt  }
0x84: {  	_ =	shalt  }
0x85: {  	_ =	shalt  }
0x86: {  	_ =	shalt  }
0x87: {  	_ =	shalt  }
.Lfunc_end0:
.L_simem_size_0:
called_computation_lowered:
.L_overlay_start_0:
0x88: {  	s2 =	sld [smem:$0x3FD9]  }
0x89: {  	s3 =	sld [smem:$0x3FFE];
	_ =	sdelay $0x1  }
0x8a: {  	s1 =	srdreg.scid  }
0x8b: {  	s0 =	sand.u32 $0x1, s1  }
0x8c: {  	s18 =	sshll.u32 s0, $0xA;
	s2 =	sadd.s32 s3, s2  }
0x8d: {  	s2 =	sadd.s32 s2, s18  }
0x8e: {  	[smem:$0x3FC4] =	sst s2  }
0x8f: {  	_ = 	snop  }
0x90: {  	s2 =	sld [smem:$0x3FC9]  }
0x91: {  	s19 =	sld [smem:$0x3FC8]  }
0x92: {  	s4 =	sld [smem:$0x3FC7]  }
0x93: {  	s5 =	sld [smem:$0x3FC6]  }
0x94: {  	s6 =	sld [smem:$0x3FD0];
	(tm) =	ssettm $0x1  }
0x95: {  	s7 =	sld [smem:$0x3FFB];
	_ =	sdelay $0x3  }
0x96: {  	_ =	strace s7  }
0x97: {  	s7 =	sld [smem:$0x3FFC];
	_ =	sdelay $0x3  }
0x98: {  	_ =	strace s7  }
0x99: {  	s7 =	sld [smem:$0x3FFD];
	_ =	sdelay $0x3  }
0x9a: {  	_ =	strace s7  }
0x9b: {  	_ =	strace $0x8FFFFFFF  }
0x9c: {  	s20 =	sld [smem:$0x3FDB];
	_ =	sdelay $0x1  }
0x9d: {  	s8 =	simm.s32 $_scs_section_size  }
0x9e: {  	s9 =	simm.s32 $_size__tile_overlayer_lowered;
	s10 =	simm.s32 $_tile_overlayer_lowered  }
0x9f: {  	s23 =	simm.s32 $0x1BFF;
	s22 =	sshll.u32 s10, $0x1;
	s7 =	sadd.s32 s8, s20  }
0xa0: {  	s11 =	simm.s32 $0x0;
	s21 =	sshll.u32 s9, $0x1;
	s9 =	sadd.s32 s22, s7  }
0xa1: {  	[timem:s11], [sflag:s23] =	dma.local [hbm:s9], s21  }
0xa2: {  	_ =	swait.ge [sflag:s23], s21  }
0xa3: {  	s8 =	ssub.s32 $0x0, s21;
	[sflag:s23] =	ssyncset.done $0x0  }
0xa4: {  	[sflag:s23] =	ssyncadd.s32 s8;
	_ =	sdelay $0x1  }
0xa5: {  	s24 =	simm.s32 $0x1B8B  }
0xa6: {  	_ =	swait.ge [sflag:s24], $0x1  }
0xa7: {  	[sflag:s24] =	ssyncset.done $0x0  }
0xa8: {  	s25 =	simm.s32 $0x1B8E;
	[sflag:s24] =	ssyncadd.s32 $0xFFFFFFFF  }
0xa9: {  	s26 =	simm.s32 $execute0_lowered;
	[smem:$0x3FD2] =	sst s25  }
0xaa: {  	s8 =	sshll.u32 s26, $0x1;
	_ =	strace $0x80000046;
	[dreg:$0x1] =	wrdreg $0xFFFFFFFF  }
0xab: {  	s28 =	simm.s32 $_size_execute0_lowered;
	s7 =	sadd.s32 s7, s8;
	[dreg:$0x0] =	wrdreg $0x0  }
0xac: {  	s8 =	sshll.u32 s28, $0x1;
	[dreg:$0x2] =	wrdreg s7  }
0xad: {  	[dreg:$0x3] =	wrdreg s8  }
0xae: {  	[dreg:$0x4] =	wrdreg $0xC0  }
0xaf: {  	_ =	task [dreg:s11], $0x5FFFF  }
0xb0: {  	[dreg:$0x1] =	wrdreg $0xFFFFFFFF  }
0xb1: {  	[dreg:$0x0] =	wrdreg $0x60  }
0xb2: {  	[dreg:$0x2] =	wrdreg s2  }
0xb3: {  	[dreg:$0x3] =	wrdreg s19  }
0xb4: {  	[dreg:$0x4] =	wrdreg s4  }
0xb5: {  	[dreg:$0x5] =	wrdreg s5  }
0xb6: {  	[dreg:$0x6] =	wrdreg s6  }
0xb7: {  	[dreg:$0x7] =	wrdreg $0x9  }
0xb8: {  	_ =	task.clear_ibuf [dreg:s11], $0x8FFFF;
	_ =	strace $0x90000046  }
0xb9: {  	s29 =	simm.s32 $0x9;
	_ =	strace $0x80000048  }
0xba: {  	_ =	swait.ge [sflag:s29], $0x1  }
0xbb: {  	[sflag:s29] =	ssyncadd.s32 $0xFFFFFFFF  }
0xbc: {  	_ =	strace $0x90000048  }
0xbd: {  	_ =	sfence  }
0xbe: {  	s30 =	sld [smem:$0x0];
	_ =	sdelay $0x2  }
0xbf: {  	s31 =	sshll.u32 s1, $0xD;
	s1 =	sshrl.u32 s1, $0x2  }
0xc0: {  	s3 =	sand.u32 $0x4000, s31;
	s1 =	sadd.s32 s1, s30  }
0xc1: {  	s0 =	sor.u32 s3, s0;
	s1 =	sshll.u32 s1, $0x11  }
0xc2: {  	s0 =	sor.u32 s1, s0  }
0xc3: {  	s0 =	sadd.s32 $0x8F2B, s0  }
0xc4: {  	[sflag:s0] =	ssyncadd.remote.s32 $0x1  }
0xc5: {  	_ =	sfence.sel $0xFFFF  }
0xc6: {  	[dreg:$0x0] =	wrdreg $0xFFFFFFFF;
	(pc) =	sbr.abs _section_cstart, $3  }
0xc7: {  	[dreg:$0x1] =	wrdreg $0xFFFFFFFF  }
0xc8: {  	_ =	task.clear_ibuf [dreg:s11], $0x2FFFF;
	_ =	strace $0x9FFFFFFF  }
0xc9: {  	(tm) =	ssettm $0x7FFFFFFF  }
tec
execute0_lowered:
.L_overlay_start_1:
0x0: {  	(tag) =	ssettag $0x1  }
0x1: {  	s4 =	rddreg [dreg:$0x0]  }
0x2: {  	s5 =	rddreg [dreg:$0x1]  }
0x3: {  	s6 =	rddreg [dreg:$0x2]  }
0x4: {  	s2 =	rddreg [dreg:$0x3]  }
0x5: {  	s7 =	rddreg [dreg:$0x4];
	s3 =	srdreg.scid  }
0x6: {  	s0 =	rddreg [dreg:$0x5];
	s1 =	stileid.u32;
	s12 =	simm.s32 $0x40  }
0x7: {  	s13 =	simm.s32 $0x100;
	s14 =	simm.s32 $0x4180;
	s15 =	simm.s32 $0x140  }
0x8: {  	s16 =	simm.s32 $0x6180;
	s17 =	simm.s32 $0x1;
	s18 =	simm.s32 $0x2  }
0x9: {  	s19 =	simm.s32 $0x3;
	s20 =	simm.s32 $0x8180;
	s21 =	simm.s32 $0xC180  }
0xa: {  	s22 =	simm.s32 $0x10180;
	s23 =	simm.s32 $0x14180;
	s24 =	simm.s32 $0x0  }
0xb: {  	s8 =	sand.u32 $0x1, s3;
	s3 =	simm.s32 $0x0;
	s10 =	sshll.u32 s1, $0x1  }
0xc: {  	s31 =	sshll.u32 s1, $0x2;
	s9 =	ssub.s32 $0x2, s8;
	[smem:$0x7FF] =	sst s3  }
0xd: {  	s8 =	sor.u32 s8, s10;
	s11 =	sshrl.u32 s9, $0x1;
	_ =	strace $0x80000047  }
0xe: {  	s10 =	sshll.u32 s8, $0xB;
	s30 =	sshll.u32 s8, $0x4;
	s8 =	sshll.u32 s8, $0x1  }
0xf: {  	s9 =	ssub.s32 s9, s11;
	s4 =	sadd.s32 s4, s10;
	s5 =	sadd.s32 s5, s30  }
0x10: {  	s11 =	sand.u32 $0x30, s31;
	s6 =	sadd.s32 s6, s30;
	s8 =	sand.u32 $0xE, s8  }
0x11: {  	v0 =	vlaneseq.u32;
	s10 =	simm.s32 $0x4;
	s7 =	sadd.s32 s7, s11;
	s11 =	simm.s32 $0x80  }
0x12: {  	v1 =	vmul.u32 $0x80, v0;
	s7 =	sadd.s32 s8, s7;
	s8 =	smax.u32 s9, $0x1;
	s9 =	simm.s32 $0x180  }
.LBB2_1:
0x13: {  	[tilespmem:s9], [sflag:$0x1] =	stream.linear.gather [hbm4b:s4+s3], $0x4000, $0x38;
	[tilespmem:$0x14200] =	vst v63  }
0x14: {  	_ = 	snop  }
0x15: {  	[tilespmem:s3], [sflag:$0x4] =	stream.linear.gather [hbm4b:s5+s3], $0x80, $0x38;
	[tilespmem:$0x14200] =	vst v63  }
0x16: {  	_ =	swait.ge [sflag:s10], $0x80  }
0x17: {  	[sflag:s10] =	ssyncset.done $0x0  }
0x18: {  	[sflag:s10] =	ssyncadd.s32 $0xFFFFFF80  }
0x19: {  	[tilespmem:s11], [sflag:$0x4] =	stream.linear.gather [hbm4b:s6+s3], $0x80, $0x38;
	[tilespmem:$0x14200] =	vst v63  }
0x1a: {  	_ =	swait.ge [sflag:s10], $0x80  }
0x1b: {  	[sflag:s10] =	ssyncset.done $0x0  }
0x1c: {  	[sflag:s10] =	ssyncadd.s32 $0xFFFFFF80  }
0x1d: {  	v2 =	vld [tilespmem:$0x0]  }
0x1e: {  	v3 =	vld [tilespmem:$0x80]  }
0x1f: {  	v4 =	vld [tilespmem:$0x10]  }
0x20: {  	v5 =	vld [tilespmem:$0x90]  }
0x21: {  	v6 =	vld [tilespmem:$0x20]  }
0x22: {  	v7 =	vld [tilespmem:$0xA0]  }
0x23: {  	v8 =	vld [tilespmem:$0x30]  }
0x24: {  	v9 =	vld [tilespmem:$0xB0]  }
0x25: {  	v10 =	vld [tilespmem:$0x40]  }
0x26: {  	v11 =	vld [tilespmem:$0xC0]  }
0x27: {  	v12 =	vld [tilespmem:$0x50]  }
0x28: {  	v13 =	vld [tilespmem:$0xD0];
	v3 =	vmul.u32 $0x3E8, v3  }
0x29: {  	v14 =	vld [tilespmem:$0xE0];
	v5 =	vmul.u32 $0x3E8, v5  }
0x2a: {  	v2 =	vadd.s32 v2, v3;
	v3 =	vmul.u32 $0x3E8, v7;
	v7 =	vld [tilespmem:$0xF0]  }
0x2b: {  	[tilespmem:$0x100] =	vst v2;
	v2 =	vadd.s32 v4, v5;
	v4 =	vmul.u32 $0x3E8, v9;
	v5 =	vld [tilespmem:$0x60]  }
0x2c: {  	[tilespmem:$0x110] =	vst v2;
	v2 =	vadd.s32 v6, v3;
	v3 =	vmul.u32 $0x3E8, v11;
	v6 =	vld [tilespmem:$0x70]  }
0x2d: {  	[tilespmem:$0x120] =	vst v2;
	v2 =	vadd.s32 v8, v4;
	v4 =	vmul.u32 $0x3E8, v13  }
0x2e: {  	[tilespmem:$0x130] =	vst v2;
	v2 =	vadd.s32 v10, v3;
	v3 =	vmul.u32 $0x3E8, v14  }
0x2f: {  	[tilespmem:$0x140] =	vst v2;
	v2 =	vadd.s32 v12, v4;
	v4 =	vmul.u32 $0x3E8, v7  }
0x30: {  	[tilespmem:$0x150] =	vst v2;
	v2 =	vadd.s32 v5, v3  }
0x31: {  	[tilespmem:$0x160] =	vst v2;
	v2 =	vadd.s32 v6, v4  }
0x32: {  	[tilespmem:$0x170] =	vst v2  }
0x33: {  	[tilespmem:s14], [sflag:$0x2] =	stream.indirect.gather [hbm4b:s2+s12], $0x80, s13, s12, $0xb8;
	[tilespmem:$0x14200] =	vst v63  }
0x34: {  	_ = 	snop  }
0x35: {  	[tilespmem:s16], [sflag:$0x3] =	stream.indirect.gather [hbm4b:s2+s12], $0x80, s15, s12, $0xb8;
	[tilespmem:$0x14200] =	vst v63  }
0x36: {  	_ =	swait.ge [sflag:s17], $0x4000  }
0x37: {  	[sflag:s17] =	ssyncset.done $0x0  }
0x38: {  	[sflag:s17] =	ssyncadd.s32 $0xFFFFC000  }
0x39: {  	_ =	swait.ge [sflag:s18], $0x2000  }
0x3a: {  	[sflag:s18] =	ssyncset.done $0x0  }
0x3b: {  	s26 =	simm.s32 $0x0;
	[sflag:s18] =	ssyncadd.s32 $0xFFFFE000  }
0x3c: {  	v2 =	vld [tilespmem:s26+$0x180]  }
0x3d: {  	v3 =	vld [tilespmem:s26+$0x4180]  }
0x3e: {  	v4 =	vld [tilespmem:s26+$0x190]  }
0x3f: {  	v5 =	vld [tilespmem:s26+$0x4190]  }
0x40: {  	v6 =	vld [tilespmem:s26+$0x1A0]  }
0x41: {  	v7 =	vld [tilespmem:s26+$0x41A0]  }
0x42: {  	v9 =	vld [tilespmem:s26+$0x1B0];
	v8 =	vmul.f32 v3, v2  }
0x43: {  	v10 =	vld [tilespmem:s26+$0x41B0]  }
0x44: {  	v12 =	vld [tilespmem:s26+$0x1C0];
	v2 =	vmul.f32 v2, v2;
	v11 =	vmul.f32 v5, v4;
	v8 =	vadd.f32 $0.0e+00, v8  }
0x45: {  	v13 =	vld [tilespmem:s26+$0x41C0];
	v3 =	vmul.f32 v3, v3;
	v4 =	vmul.f32 v4, v4  }
0x46: {  	v14 =	vld [tilespmem:s26+$0x1D0];
	v5 =	vmul.f32 v5, v5;
	v8 =	vadd.f32 v11, v8;
	v11 =	vmul.f32 v7, v6  }
0x47: {  	v2 =	vadd.f32 v4, v2;
	v4 =	vmul.f32 v6, v6;
	v6 =	vld [tilespmem:s26+$0x41D0]  }
0x48: {  	v3 =	vadd.f32 v5, v3;
	v5 =	vadd.f32 v11, v8;
	v8 =	vmul.f32 v10, v9;
	v11 =	vld [tilespmem:s26+$0x1E0]  }
0x49: {  	v2 =	vadd.f32 v4, v2;
	v4 =	vmul.f32 v7, v7;
	v7 =	vmul.f32 v9, v9;
	v9 =	vld [tilespmem:s26+$0x41E0]  }
0x4a: {  	v15 =	vld [tilespmem:s26+$0x1F0];
	v10 =	vmul.f32 v10, v10;
	v5 =	vadd.f32 v8, v5;
	v8 =	vmul.f32 v13, v12  }
0x4b: {  	v3 =	vadd.f32 v4, v3;
	v2 =	vadd.f32 v7, v2;
	v4 =	vmul.f32 v12, v12;
	v7 =	vld [tilespmem:s26+$0x41F0]  }
0x4c: {  	s25 =	simm.s32 $0x80;
	v12 =	vmul.f32 v13, v13;
	v5 =	vadd.f32 v8, v5;
	v8 =	vmul.f32 v6, v14  }
0x4d: {  	v3 =	vadd.f32 v10, v3;
	v2 =	vadd.f32 v4, v2;
	v4 =	vmul.f32 v14, v14;
	v10 =	vld [tilespmem:s25+$0x180]  }
0x4e: {  	v13 =	vld [tilespmem:s25+$0x4180];
	v6 =	vmul.f32 v6, v6;
	v5 =	vadd.f32 v8, v5;
	v8 =	vmul.f32 v9, v11  }
0x4f: {  	v3 =	vadd.f32 v12, v3;
	v2 =	vadd.f32 v4, v2;
	v4 =	vmul.f32 v11, v11;
	v11 =	vld [tilespmem:s25+$0x190]  }
0x50: {  	v12 =	vld [tilespmem:s25+$0x4190];
	v5 =	vadd.f32 v8, v5;
	v8 =	vmul.f32 v7, v15  }
0x51: {  	v3 =	vadd.f32 v6, v3;
	v6 =	vld [tilespmem:s25+$0x1A0];
	v2 =	vadd.f32 v4, v2;
	v4 =	vmul.f32 v9, v9  }
0x52: {  	v14 =	vld [tilespmem:s25+$0x41A0];
	v9 =	vmul.f32 v15, v15;
	v7 =	vmul.f32 v7, v7;
	v5 =	vadd.f32 v8, v5  }
0x53: {  	v3 =	vadd.f32 v4, v3;
	v4 =	vmul.f32 v10, v10;
	v8 =	vmul.f32 v13, v10;
	v10 =	vld [tilespmem:s25+$0x1B0]  }
0x54: {  	v15 =	vld [tilespmem:s25+$0x41B0];
	v9 =	vadd.f32 v9, v2;
	v2 =	vmul.f32 v13, v13;
	v13 =	vmul.f32 v11, v11;
	(xrf2) =	vadd.scan.msk.f32 $0xffff, v5  }
0x55: {  	v11 =	vmul.f32 v12, v11;
	v5 =	vadd.f32 $0.0e+00, v8;
	v8 =	vmul.f32 v12, v12;
	v12 =	vld [tilespmem:s25+$0x1C0]  }
0x56: {  	v16 =	vadd.f32 v7, v3;
	v7 =	vld [tilespmem:s25+$0x41C0];
	v3 =	vadd.f32 v13, v4;
	v4 =	vmul.f32 v6, v6  }
0x57: {  	v6 =	vmul.f32 v14, v6;
	(xrf2) =	vadd.scan.msk.f32 $0xffff, v9;
	v2 =	vadd.f32 v8, v2;
	v5 =	vadd.f32 v11, v5;
	v11 =	vld [tilespmem:s25+$0x1D0]  }
0x58: {  	v13 =	vld [tilespmem:s25+$0x41D0];
	v3 =	vadd.f32 v4, v3;
	v4 =	vmul.f32 v14, v14;
	v8 =	vmul.f32 v10, v10  }
0x59: {  	v14 =	vmul.f32 v15, v15;
	v10 =	vmul.f32 v15, v10;
	v6 =	vadd.f32 v6, v5;
	v5 =	vld [tilespmem:s25+$0x1E0]  }
0x5a: {  	(xrf2) =	vadd.scan.msk.f32 $0xffff, v16;
	v15 =	vadd.f32 v4, v2;
	v3 =	vadd.f32 v8, v3;
	v8 =	vmul.f32 v12, v12;
	v4 =	vld [tilespmem:s25+$0x41E0]  }
0x5b: {  	v2 =	vld [tilespmem:s25+$0x1F0];
	v6 =	vadd.f32 v10, v6;
	v10 =	vmul.f32 v7, v7;
	v7 =	vmul.f32 v7, v12  }
0x5c: {  	v14 =	vadd.f32 v14, v15;
	v15 =	vadd.f32 v8, v3;
	v17 =	vmul.f32 v11, v11;
	v3 =	vld [tilespmem:s25+$0x41F0]  }
0x5d: {  	s28 =	simm.s32 $0x100;
	v12 =	vmul.f32 v13, v11;
	v8 =	vadd.f32 v7, v6;
	v7 =	vmul.f32 v13, v13  }
0x5e: {  	s29 =	simm.s32 $0x600;
	v6 =	vld [tilespmem:s28+$0x180];
	v10 =	vadd.f32 v10, v14;
	v9 =	vadd.f32 v17, v15;
	v11 =	vmul.f32 v5, v5;
	v13, _, _ =	vpop (xrf2)  }
.LBB2_2:
0x5f: {  	p0 =	sne.s32 s29, $0x7E00;
	v14 =	vld [tilespmem:s28+$0x4180];
	v8 =	vadd.f32 v12, v8;
	v5 =	vmul.f32 v4, v5;
	v12 =	vbroadcast v13, $0xF  }
0x60: {  	v4 =	vmul.f32 v4, v4;
	v13 =	vld [tilespmem:s28+$0x190];
	v7 =	vadd.f32 v7, v10;
	v9 =	vadd.f32 v11, v9  }
0x61: {  	v10 =	vld [tilespmem:s28+$0x4190];
	v5 =	vadd.f32 v5, v8;
	v8 =	vmul.f32 v2, v2;
	v2 =	vmul.f32 v3, v2;
	[tilespmem:s26+$0x10180] =	vst v12;
	v11, _, _ =	vpop (xrf2)  }
0x62: {  	v3 =	vmul.f32 v3, v3;
	v12 =	vld [tilespmem:s28+$0x1A0];
	v16 =	vadd.f32 v4, v7;
	v7 =	vbroadcast v11, $0xF  }
0x63: {  	v11 =	vmul.f32 v6, v6;
	v15 =	vld [tilespmem:s28+$0x41A0];
	v8 =	vadd.f32 v8, v9;
	v2 =	vadd.f32 v2, v5  }
0x64: {  	v5 =	vmul.f32 v14, v14;
	v6 =	vmul.f32 v14, v6;
	v9 =	vld [tilespmem:s28+$0x1B0];
	v3 =	vadd.f32 v3, v16;
	[tilespmem:s26+$0x8180] =	vst v7;
	v4, _, _ =	vpop (xrf2)  }
0x65: {  	v7 =	vmul.f32 v13, v13;
	v14 =	vld [tilespmem:s28+$0x41B0];
	(xrf2) =	vadd.scan.msk.f32 $0xffff, v2;
	v2 =	vbroadcast v4, $0xF  }
0x66: {  	v4 =	vadd.f32 $0.0e+00, v6;
	v6 =	vmul.f32 v10, v10;
	v10 =	vmul.f32 v10, v13;
	v13 =	vld [tilespmem:s28+$0x1C0]  }
0x67: {  	v7 =	vadd.f32 v7, v11;
	v11 =	vmul.f32 v12, v12;
	v16 =	vld [tilespmem:s28+$0x41C0];
	[tilespmem:s26+$0xC180] =	vst v2;
	s26 =	smov.u32 s25;
	s25 =	smov.u32 s28  }
0x68: {  	v2 =	vadd.f32 v6, v5;
	v4 =	vadd.f32 v10, v4;
	v5 =	vmul.f32 v15, v12;
	v6 =	vld [tilespmem:s25+$0x1D0];
	(xrf2) =	vadd.scan.msk.f32 $0xffff, v8  }
0x69: {  	v8 =	vmul.f32 v15, v15;
	v7 =	vadd.f32 v11, v7;
	v10 =	vmul.f32 v9, v9;
	v11 =	vld [tilespmem:s25+$0x41D0]  }
0x6a: {  	v12 =	vadd.f32 v5, v4;
	v15 =	vmul.f32 v14, v14;
	v9 =	vmul.f32 v14, v9;
	v5 =	vld [tilespmem:s25+$0x1E0]  }
.Ltmp0:
0x6b: {  	v8 =	vadd.f32 v8, v2;
	v7 =	vadd.f32 v10, v7;
	v10 =	vmul.f32 v13, v13;
	v4 =	vld [tilespmem:s25+$0x41E0];
	(xrf2) =	vadd.scan.msk.f32 $0xffff, v3;
	(pc) =	sbr.rel @p0 .LBB2_2-.Ltmp0, $4  }
0x6c: {  	v9 =	vadd.f32 v9, v12;
	v14 =	vmul.f32 v16, v16;
	v12 =	vmul.f32 v16, v13;
	v2 =	vld [tilespmem:s25+$0x1F0]  }
0x6d: {  	v17 =	vadd.f32 v15, v8;
	v15 =	vadd.f32 v10, v7;
	v16 =	vmul.f32 v6, v6;
	v3 =	vld [tilespmem:s25+$0x41F0]  }
0x6e: {  	s28 =	sshra.s32 s29, $0x2;
	v8 =	vadd.f32 v12, v9;
	v7 =	vmul.f32 v11, v11;
	v12 =	vmul.f32 v11, v6  }
0x6f: {  	s29 =	sadd.s32 $0x200, s29;
	v10 =	vadd.f32 v14, v17;
	v6 =	vld [tilespmem:s28+$0x180];
	v9 =	vadd.f32 v16, v15;
	v11 =	vmul.f32 v5, v5;
	v13, _, _ =	vpop (xrf2)  }
0x70: {  	v13 =	vbroadcast v13, $0xF  }
0x71: {  	v14 =	vld [tilespmem:s28+$0x4180]  }
0x72: {  	v15 =	vld [tilespmem:s28+$0x190]  }
0x73: {  	v16 =	vld [tilespmem:s28+$0x4190];
	v7 =	vadd.f32 v7, v10;
	[tilespmem:s26+$0x10180] =	vst v13  }
0x74: {  	v8 =	vadd.f32 v12, v8;
	v5 =	vmul.f32 v4, v5;
	v17 =	vld [tilespmem:s28+$0x1A0];
	v13, _, _ =	vpop (xrf2)  }
0x75: {  	v4 =	vmul.f32 v4, v4;
	v12 =	vbroadcast v13, $0xF;
	v13 =	vld [tilespmem:s28+$0x41A0]  }
0x76: {  	v9 =	vadd.f32 v11, v9;
	v5 =	vadd.f32 v5, v8;
	v8 =	vmul.f32 v14, v6  }
0x77: {  	v10 =	vld [tilespmem:s28+$0x1B0];
	v4 =	vadd.f32 v4, v7;
	v6 =	vmul.f32 v6, v6;
	v7, _, _ =	vpop (xrf2);
	v11 =	vmul.f32 v15, v15;
	[tilespmem:s26+$0x8180] =	vst v12  }
0x78: {  	v15 =	vmul.f32 v16, v15;
	v7 =	vbroadcast v7, $0xF;
	v8 =	vadd.f32 $0.0e+00, v8;
	v12 =	vld [tilespmem:s28+$0x41B0]  }
0x79: {  	v14 =	vmul.f32 v14, v14;
	v16 =	vmul.f32 v16, v16;
	v6 =	vadd.f32 v11, v6;
	v18 =	vld [tilespmem:s28+$0x1C0]  }
0x7a: {  	v11 =	vld [tilespmem:s28+$0x41C0];
	[tilespmem:s26+$0xC180] =	vst v7;
	v7 =	vmul.f32 v17, v17;
	v8 =	vadd.f32 v15, v8;
	v15 =	vmul.f32 v13, v17  }
0x7b: {  	v59 =	vmul.f32 v2, v2;
	v14 =	vadd.f32 v16, v14;
	v60 =	vld [tilespmem:s28+$0x1D0];
	v13 =	vmul.f32 v13, v13  }
0x7c: {  	v6 =	vadd.f32 v7, v6;
	v7 =	vmul.f32 v10, v10;
	v8 =	vadd.f32 v15, v8;
	v15 =	vld [tilespmem:s28+$0x41D0]  }
0x7d: {  	v61 =	vld [tilespmem:s28+$0x41E0];
	v13 =	vadd.f32 v13, v14;
	v10 =	vmul.f32 v12, v10;
	v12 =	vmul.f32 v12, v12  }
0x7e: {  	v2 =	vmul.f32 v3, v2;
	v14 =	vld [tilespmem:s28+$0x1E0];
	v6 =	vadd.f32 v7, v6;
	v7 =	vmul.f32 v18, v18  }
0x7f: {  	v8 =	vadd.f32 v10, v8;
	v10 =	vmul.f32 v11, v18;
	v12 =	vadd.f32 v12, v13;
	v13 =	vld [tilespmem:s28+$0x1F0]  }
0x80: {  	v3 =	vmul.f32 v3, v3;
	v11 =	vmul.f32 v11, v11;
	v6 =	vadd.f32 v7, v6;
	v7 =	vld [tilespmem:s28+$0x41F0]  }
0x81: {  	v9 =	vadd.f32 v59, v9;
	v8 =	vadd.f32 v10, v8;
	v10 =	vmul.f32 v15, v60  }
0x82: {  	v11 =	vadd.f32 v11, v12;
	v12 =	vmul.f32 v60, v60;
	v15 =	vmul.f32 v15, v15  }
0x83: {  	v2 =	vadd.f32 v2, v5;
	v5 =	vadd.f32 v10, v8;
	v8 =	vmul.f32 v61, v14  }
0x84: {  	v6 =	vadd.f32 v12, v6;
	v10 =	vmul.f32 v14, v14;
	v11 =	vadd.f32 v15, v11  }
0x85: {  	v12 =	vmul.f32 v61, v61;
	v5 =	vadd.f32 v8, v5;
	v8 =	vmul.f32 v7, v13  }
0x86: {  	v3 =	vadd.f32 v3, v4;
	(xrf2) =	vadd.scan.msk.f32 $0xffff, v2;
	v4 =	vmul.f32 v13, v13;
	v2 =	vadd.f32 v10, v6  }
0x87: {  	(xrf2) =	vadd.scan.msk.f32 $0xffff, v9;
	v6 =	vadd.f32 v12, v11;
	v7 =	vmul.f32 v7, v7;
	v5 =	vadd.f32 v8, v5  }
0x88: {  	(xrf2) =	vadd.scan.msk.f32 $0xffff, v3;
	v2 =	vadd.f32 v4, v2  }
0x89: {  	v3 =	vadd.f32 v7, v6;
	(xrf2) =	vadd.scan.msk.f32 $0xffff, v5  }
0x8a: {  	(xrf2) =	vadd.scan.msk.f32 $0xffff, v2  }
0x8b: {  	(xrf2) =	vadd.scan.msk.f32 $0xffff, v3;
	_ =	sdelay $0x4  }
0x8c: {  	v2, _, _ =	vpop (xrf2)  }
0x8d: {  	v3, _, _ =	vpop (xrf2);
	v2 =	vbroadcast v2, $0xF  }
0x8e: {  	v4, _, _ =	vpop (xrf2);
	v3 =	vbroadcast v3, $0xF  }
0x8f: {  	[tilespmem:s25+$0x10180] =	vst v2;
	v2 =	vbroadcast v4, $0xF;
	v4, _, _ =	vpop (xrf2)  }
0x90: {  	[tilespmem:s25+$0x8180] =	vst v3;
	v3 =	vbroadcast v4, $0xF;
	v4, _, _ =	vpop (xrf2)  }
0x91: {  	[tilespmem:s25+$0xC180] =	vst v2;
	v2 =	vbroadcast v4, $0xF;
	v4, _, _ =	vpop (xrf2)  }
0x92: {  	[tilespmem:s28+$0x10180] =	vst v3;
	v3 =	vbroadcast v4, $0xF  }
0x93: {  	[tilespmem:s28+$0x8180] =	vst v2  }
0x94: {  	[tilespmem:s28+$0xC180] =	vst v3  }
0x95: {  	_ =	swait.ge [sflag:s19], $0x2000  }
0x96: {  	[sflag:s19] =	ssyncset.done $0x0  }
0x97: {  	s26 =	simm.s32 $0x0;
	[sflag:s19] =	ssyncadd.s32 $0xFFFFE000  }
0x98: {  	v2 =	vld [tilespmem:s26+$0x2180]  }
0x99: {  	v3 =	vld [tilespmem:s26+$0x6180]  }
0x9a: {  	v4 =	vld [tilespmem:s26+$0x2190]  }
0x9b: {  	v5 =	vld [tilespmem:s26+$0x6190];
	_ =	sdelay $0x1  }
0x9c: {  	v6 =	vld [tilespmem:s26+$0x21A0]  }
0x9d: {  	v7 =	vld [tilespmem:s26+$0x61A0]  }
0x9e: {  	v9 =	vld [tilespmem:s26+$0x21B0];
	v8 =	vmul.f32 v3, v2;
	v2 =	vmul.f32 v2, v2  }
0x9f: {  	v10 =	vld [tilespmem:s26+$0x61B0];
	v11 =	vmul.f32 v5, v4;
	v4 =	vmul.f32 v4, v4  }
0xa0: {  	v12 =	vld [tilespmem:s26+$0x21C0];
	v3 =	vmul.f32 v3, v3;
	v5 =	vmul.f32 v5, v5;
	v8 =	vadd.f32 $0.0e+00, v8  }
0xa1: {  	v13 =	vld [tilespmem:s26+$0x61C0];
	v2 =	vadd.f32 v4, v2;
	v4 =	vmul.f32 v6, v6  }
0xa2: {  	v14 =	vld [tilespmem:s26+$0x21D0];
	v3 =	vadd.f32 v5, v3;
	v8 =	vadd.f32 v11, v8;
	v11 =	vmul.f32 v7, v6  }
0xa3: {  	v6 =	vld [tilespmem:s26+$0x61D0];
	v2 =	vadd.f32 v4, v2;
	v4 =	vmul.f32 v7, v7;
	v7 =	vmul.f32 v9, v9  }
0xa4: {  	v5 =	vadd.f32 v11, v8;
	v8 =	vmul.f32 v10, v9;
	v11 =	vld [tilespmem:s26+$0x21E0];
	v10 =	vmul.f32 v10, v10  }
0xa5: {  	v9 =	vld [tilespmem:s26+$0x61E0];
	v3 =	vadd.f32 v4, v3;
	v2 =	vadd.f32 v7, v2;
	v4 =	vmul.f32 v12, v12  }
0xa6: {  	v15 =	vld [tilespmem:s26+$0x21F0];
	v5 =	vadd.f32 v8, v5;
	v8 =	vmul.f32 v13, v12;
	v12 =	vmul.f32 v13, v13  }
0xa7: {  	s25 =	simm.s32 $0x80;
	v7 =	vld [tilespmem:s26+$0x61F0];
	v3 =	vadd.f32 v10, v3;
	v2 =	vadd.f32 v4, v2;
	v4 =	vmul.f32 v14, v14  }
0xa8: {  	v10 =	vld [tilespmem:s25+$0x2180];
	v5 =	vadd.f32 v8, v5;
	v8 =	vmul.f32 v6, v14;
	v6 =	vmul.f32 v6, v6  }
0xa9: {  	v13 =	vld [tilespmem:s25+$0x6180];
	v3 =	vadd.f32 v12, v3;
	v2 =	vadd.f32 v4, v2;
	v4 =	vmul.f32 v11, v11  }
0xaa: {  	v5 =	vadd.f32 v8, v5;
	v8 =	vmul.f32 v9, v11;
	v11 =	vld [tilespmem:s25+$0x2190]  }
0xab: {  	v12 =	vld [tilespmem:s25+$0x6190];
	v3 =	vadd.f32 v6, v3;
	v2 =	vadd.f32 v4, v2;
	v4 =	vmul.f32 v9, v9  }
0xac: {  	v6 =	vld [tilespmem:s25+$0x21A0];
	v5 =	vadd.f32 v8, v5;
	v8 =	vmul.f32 v7, v15  }
0xad: {  	v14 =	vld [tilespmem:s25+$0x61A0];
	v9 =	vmul.f32 v15, v15;
	v7 =	vmul.f32 v7, v7;
	v3 =	vadd.f32 v4, v3  }
0xae: {  	v4 =	vmul.f32 v10, v10;
	v5 =	vadd.f32 v8, v5;
	v8 =	vmul.f32 v13, v10;
	v10 =	vld [tilespmem:s25+$0x21B0]  }
0xaf: {  	v2 =	vadd.f32 v9, v2;
	v9 =	vmul.f32 v13, v13;
	v13 =	vmul.f32 v11, v11  }
0xb0: {  	v11 =	vmul.f32 v12, v11;
	(xrf2) =	vadd.scan.msk.f32 $0xffff, v5;
	v5 =	vadd.f32 $0.0e+00, v8;
	v8 =	vmul.f32 v12, v12;
	v12 =	vld [tilespmem:s25+$0x21C0]  }
0xb1: {  	v15 =	vld [tilespmem:s25+$0x61B0];
	v62 =	vadd.f32 v7, v3;
	v3 =	vadd.f32 v13, v4;
	v4 =	vmul.f32 v6, v6  }
0xb2: {  	v8 =	vadd.f32 v8, v9;
	v5 =	vadd.f32 v11, v5  }
0xb3: {  	v7 =	vld [tilespmem:s25+$0x61C0];
	v11 =	vmul.f32 v14, v14;
	v3 =	vadd.f32 v4, v3;
	v13 =	vmul.f32 v10, v10  }
0xb4: {  	v6 =	vmul.f32 v14, v6;
	(xrf2) =	vadd.scan.msk.f32 $0xffff, v2;
	v9 =	vld [tilespmem:s25+$0x21D0]  }
0xb5: {  	v14 =	vld [tilespmem:s25+$0x61D0];
	v8 =	vadd.f32 v11, v8;
	v11 =	vadd.f32 v13, v3;
	v13 =	vmul.f32 v12, v12  }
0xb6: {  	v10 =	vmul.f32 v15, v10;
	v4 =	vld [tilespmem:s25+$0x21E0];
	v5 =	vadd.f32 v6, v5  }
0xb7: {  	(xrf2) =	vadd.scan.msk.f32 $0xffff, v62;
	v6 =	vmul.f32 v15, v15;
	v3 =	vld [tilespmem:s25+$0x61E0];
	v13 =	vadd.f32 v13, v11  }
0xb8: {  	v2 =	vld [tilespmem:s25+$0x61F0];
	v15 =	vmul.f32 v7, v7;
	v7 =	vmul.f32 v7, v12;
	v10 =	vadd.f32 v10, v5  }
0xb9: {  	v5 =	vld [tilespmem:s25+$0x21F0];
	v12 =	vadd.f32 v6, v8;
	v63 =	vmul.f32 v9, v9  }
0xba: {  	s29 =	simm.s32 $0x100;
	v11 =	vmul.f32 v14, v9;
	v8 =	vadd.f32 v7, v10;
	v7 =	vmul.f32 v14, v14  }
0xbb: {  	s30 =	simm.s32 $0x600;
	s28 =	simm.s32 $0x0;
	v6 =	vld [tilespmem:s29+$0x2180];
	v12 =	vadd.f32 v15, v12;
	v10 =	vmul.f32 v4, v4;
	v9 =	vadd.f32 v63, v13;
	v13, _, _ =	vpop (xrf2)  }
.LBB2_4:
0xbc: {  	p0 =	sne.s32 s30, $0x7E00;
	v14 =	vld [tilespmem:s29+$0x6180];
	v8 =	vadd.f32 v11, v8;
	v4 =	vmul.f32 v3, v4;
	v15 =	vbroadcast v13, $0xF  }
0xbd: {  	v3 =	vmul.f32 v3, v3;
	v13 =	vld [tilespmem:s29+$0x2190];
	v7 =	vadd.f32 v7, v12;
	v9 =	vadd.f32 v10, v9  }
0xbe: {  	v10 =	vld [tilespmem:s29+$0x6190];
	v4 =	vadd.f32 v4, v8;
	v8 =	vmul.f32 v5, v5;
	v5 =	vmul.f32 v2, v5;
	[tilespmem:s26+$0x12180] =	vst v15;
	v11, _, _ =	vpop (xrf2)  }
0xbf: {  	v2 =	vmul.f32 v2, v2;
	v12 =	vld [tilespmem:s29+$0x21A0];
	v16 =	vadd.f32 v3, v7;
	v7 =	vbroadcast v11, $0xF  }
0xc0: {  	v11 =	vmul.f32 v6, v6;
	v15 =	vld [tilespmem:s29+$0x61A0];
	v8 =	vadd.f32 v8, v9;
	v4 =	vadd.f32 v5, v4  }
0xc1: {  	v5 =	vmul.f32 v14, v14;
	v6 =	vmul.f32 v14, v6;
	v9 =	vld [tilespmem:s29+$0x21B0];
	v2 =	vadd.f32 v2, v16;
	[tilespmem:s26+$0xA180] =	vst v7;
	v3, _, _ =	vpop (xrf2)  }
0xc2: {  	v7 =	vmul.f32 v13, v13;
	v14 =	vld [tilespmem:s29+$0x61B0];
	(xrf2) =	vadd.scan.msk.f32 $0xffff, v4;
	v3 =	vbroadcast v3, $0xF  }
0xc3: {  	v4 =	vadd.f32 $0.0e+00, v6;
	v6 =	vmul.f32 v10, v10;
	v10 =	vmul.f32 v10, v13;
	v13 =	vld [tilespmem:s29+$0x21C0]  }
0xc4: {  	v7 =	vadd.f32 v7, v11;
	v11 =	vmul.f32 v12, v12;
	v16 =	vld [tilespmem:s29+$0x61C0];
	[tilespmem:s26+$0xE180] =	vst v3;
	s26 =	smov.u32 s25;
	s25 =	smov.u32 s29  }
0xc5: {  	v3 =	vadd.f32 v6, v5;
	v4 =	vadd.f32 v10, v4;
	v5 =	vmul.f32 v15, v12;
	v6 =	vld [tilespmem:s25+$0x21D0];
	(xrf2) =	vadd.scan.msk.f32 $0xffff, v8  }
0xc6: {  	v8 =	vmul.f32 v15, v15;
	v7 =	vadd.f32 v11, v7;
	v10 =	vmul.f32 v9, v9;
	v11 =	vld [tilespmem:s25+$0x61D0]  }
0xc7: {  	v5 =	vadd.f32 v5, v4;
	v12 =	vmul.f32 v14, v14;
	v9 =	vmul.f32 v14, v9;
	v4 =	vld [tilespmem:s25+$0x21E0]  }
.Ltmp1:
0xc8: {  	v8 =	vadd.f32 v8, v3;
	v7 =	vadd.f32 v10, v7;
	v10 =	vmul.f32 v13, v13;
	v3 =	vld [tilespmem:s25+$0x61E0];
	(xrf2) =	vadd.scan.msk.f32 $0xffff, v2;
	(pc) =	sbr.rel @p0 .LBB2_4-.Ltmp1, $4  }
0xc9: {  	v9 =	vadd.f32 v9, v5;
	v14 =	vmul.f32 v16, v16;
	v16 =	vmul.f32 v16, v13;
	v5 =	vld [tilespmem:s25+$0x21F0]  }
0xca: {  	v12 =	vadd.f32 v12, v8;
	v10 =	vadd.f32 v10, v7;
	v15 =	vmul.f32 v6, v6;
	v2 =	vld [tilespmem:s25+$0x61F0]  }
0xcb: {  	s29 =	sshra.s32 s30, $0x2;
	v8 =	vadd.f32 v16, v9;
	v7 =	vmul.f32 v11, v11;
	v11 =	vmul.f32 v11, v6  }
0xcc: {  	s30 =	sadd.s32 $0x200, s30;
	v12 =	vadd.f32 v14, v12;
	v6 =	vld [tilespmem:s29+$0x2180];
	v9 =	vadd.f32 v15, v10;
	v10 =	vmul.f32 v4, v4;
	v13, _, _ =	vpop (xrf2)  }
0xcd: {  	v13 =	vbroadcast v13, $0xF;
	_ =	sdelay $0x1  }
0xce: {  	v14 =	vld [tilespmem:s29+$0x6180]  }
0xcf: {  	v15 =	vld [tilespmem:s29+$0x2190]  }
0xd0: {  	v16 =	vld [tilespmem:s29+$0x6190];
	[tilespmem:s26+$0x12180] =	vst v13;
	v13, _, _ =	vpop (xrf2)  }
0xd1: {  	v13 =	vbroadcast v13, $0xF  }
0xd2: {  	v4 =	vmul.f32 v3, v4  }
0xd3: {  	v8 =	vadd.f32 v11, v8;
	v3 =	vmul.f32 v3, v3;
	v11 =	vmul.f32 v5, v5;
	v17 =	vld [tilespmem:s29+$0x21A0]  }
0xd4: {  	v7 =	vadd.f32 v7, v12;
	v5 =	vmul.f32 v2, v5;
	v18 =	vld [tilespmem:s29+$0x61A0];
	v12 =	vmul.f32 v6, v6  }
0xd5: {  	v9 =	vadd.f32 v10, v9;
	v19 =	vld [tilespmem:s29+$0x21B0];
	v10 =	vmul.f32 v14, v14;
	v6 =	vmul.f32 v14, v6;
	[tilespmem:s26+$0xA180] =	vst v13;
	v13, _, _ =	vpop (xrf2)  }
0xd6: {  	v4 =	vadd.f32 v4, v8;
	v8 =	vmul.f32 v15, v15;
	v14 =	vld [tilespmem:s29+$0x61B0];
	v13 =	vbroadcast v13, $0xF  }
0xd7: {  	v21 =	vmul.f32 v16, v16;
	v15 =	vmul.f32 v16, v15;
	v6 =	vadd.f32 $0.0e+00, v6;
	v20 =	vld [tilespmem:s29+$0x21C0]  }
0xd8: {  	v3 =	vadd.f32 v3, v7;
	v7 =	vadd.f32 v8, v12;
	v16 =	vld [tilespmem:s29+$0x61C0];
	v8 =	vmul.f32 v17, v17;
	[tilespmem:s26+$0xE180] =	vst v13  }
0xd9: {  	v10 =	vadd.f32 v21, v10;
	v12 =	vmul.f32 v18, v17;
	v6 =	vadd.f32 v15, v6;
	v13 =	vld [tilespmem:s29+$0x21D0]  }
0xda: {  	v15 =	vmul.f32 v19, v19;
	v7 =	vadd.f32 v8, v7;
	v8 =	vmul.f32 v18, v18;
	v17 =	vld [tilespmem:s29+$0x61D0]  }
0xdb: {  	v2 =	vmul.f32 v2, v2;
	v6 =	vadd.f32 v12, v6;
	v12 =	vmul.f32 v14, v19;
	v18 =	vld [tilespmem:s29+$0x21E0]  }
0xdc: {  	v8 =	vadd.f32 v8, v10;
	v7 =	vadd.f32 v15, v7;
	v14 =	vmul.f32 v14, v14;
	v10 =	vld [tilespmem:s29+$0x61E0]  }
0xdd: {  	v15 =	vmul.f32 v20, v20;
	v19 =	vld [tilespmem:s29+$0x21F0];
	v6 =	vadd.f32 v12, v6;
	v12 =	vmul.f32 v16, v20  }
0xde: {  	v9 =	vadd.f32 v11, v9;
	v11 =	vmul.f32 v16, v16;
	v8 =	vadd.f32 v14, v8;
	v14 =	vld [tilespmem:s29+$0x61F0]  }
0xdf: {  	v7 =	vadd.f32 v15, v7;
	v6 =	vadd.f32 v12, v6;
	v12 =	vmul.f32 v17, v13  }
0xe0: {  	v8 =	vadd.f32 v11, v8;
	v13 =	vmul.f32 v13, v13;
	v15 =	vmul.f32 v17, v17  }
0xe1: {  	v4 =	vadd.f32 v5, v4;
	v5 =	vadd.f32 v12, v6;
	v6 =	vmul.f32 v10, v18  }
0xe2: {  	v11 =	vmul.f32 v18, v18;
	v7 =	vadd.f32 v13, v7;
	v8 =	vadd.f32 v15, v8  }
0xe3: {  	v10 =	vmul.f32 v10, v10;
	v5 =	vadd.f32 v6, v5;
	v6 =	vmul.f32 v14, v19  }
0xe4: {  	v2 =	vadd.f32 v2, v3;
	(xrf2) =	vadd.scan.msk.f32 $0xffff, v4;
	v4 =	vmul.f32 v19, v19;
	v3 =	vadd.f32 v11, v7  }
0xe5: {  	(xrf2) =	vadd.scan.msk.f32 $0xffff, v9;
	v7 =	vadd.f32 v10, v8;
	v8 =	vmul.f32 v14, v14;
	v5 =	vadd.f32 v6, v5  }
0xe6: {  	(xrf2) =	vadd.scan.msk.f32 $0xffff, v2;
	v2 =	vadd.f32 v4, v3  }
0xe7: {  	v3 =	vadd.f32 v8, v7;
	(xrf2) =	vadd.scan.msk.f32 $0xffff, v5  }
0xe8: {  	(xrf2) =	vadd.scan.msk.f32 $0xffff, v2  }
0xe9: {  	(xrf2) =	vadd.scan.msk.f32 $0xffff, v3;
	_ =	sdelay $0x4  }
0xea: {  	v4 =	vmov s28;
	v2, _, _ =	vpop (xrf2)  }
0xeb: {  	v4 =	vshll.u32 v4, $0x7;
	v3, _, _ =	vpop (xrf2);
	v2 =	vbroadcast v2, $0xF  }
0xec: {  	v4 =	vor.u32 v1, v4;
	v5, _, _ =	vpop (xrf2);
	v3 =	vbroadcast v3, $0xF  }
0xed: {  	[tilespmem:s25+$0x12180] =	vst v2;
	v2 =	vbroadcast v5, $0xF;
	v5, _, _ =	vpop (xrf2)  }
0xee: {  	v8 =	vor.u32 v0, v4;
	[tilespmem:s25+$0xA180] =	vst v3;
	v3 =	vbroadcast v5, $0xF;
	v5, _, _ =	vpop (xrf2)  }
0xef: {  	[tilespmem:s25+$0xE180] =	vst v2;
	v2 =	vbroadcast v5, $0xF;
	v4, _, _ =	vpop (xrf2)  }
0xf0: {  	[tilespmem:s29+$0x12180] =	vst v3;
	v3 =	vbroadcast v4, $0xF  }
0xf1: {  	[tilespmem:s29+$0xA180] =	vst v2  }
0xf2: {  	[tilespmem:s29+$0xE180] =	vst v3  }
0xf3: {  	s26 =	simm.s32 $0x10;
	v12 =	vld.idx.msk [tilespmem:v8+s20+$0x0], $0xffff  }
0xf4: {  	v2 =	vmov s26  }
0xf5: {  	v2 =	vshll.u32 v2, $0x7  }
0xf6: {  	v17 =	vld.idx.msk [tilespmem:v8+s21+$0x0], $0xffff;
	v2 =	vor.u32 v1, v2  }
0xf7: {  	v11 =	vor.u32 v0, v2  }
0xf8: {  	v2 =	vmax.f32 v12, $1.000000020e-24  }
0xf9: {  	v3 =	vshrl.u32 v2, $0x1;
	v2 =	vmul.f32 $5.000000000e-01, v2  }
0xfa: {  	v3 =	vsub.s32 $0x5F3759DF, v3  }
0xfb: {  	v4 =	vmax.f32 v17, $1.000000020e-24;
	v5 =	vmul.f32 v3, v2  }
0xfc: {  	s28 =	simm.s32 $0x20;
	v7 =	vmul.f32 $5.000000000e-01, v4;
	v4 =	vshrl.u32 v4, $0x1;
	v13 =	vld.idx.msk [tilespmem:v11+s20+$0x0], $0xffff  }
0xfd: {  	v6 =	vsub.s32 $0x5F3759DF, v4;
	v4 =	vmov s28;
	v5 =	vmul.f32 v3, v5  }
0xfe: {  	v9 =	vmul.f32 v6, v7;
	v4 =	vshll.u32 v4, $0x7  }
0xff: {  	v10 =	vld.idx.msk [tilespmem:v11+s21+$0x0], $0xffff;
	v4 =	vor.u32 v1, v4;
	v5 =	vsub.f32 $1.500000000e+00, v5  }
0x100: {  	v9 =	vmul.f32 v6, v9;
	v4 =	vor.u32 v0, v4  }
0x101: {  	v3 =	vmul.f32 v3, v5;
	v5 =	vmax.f32 v13, $1.000000020e-24  }
0x102: {  	v9 =	vsub.f32 $1.500000000e+00, v9;
	v14 =	vshrl.u32 v5, $0x1;
	v15 =	vmul.f32 $5.000000000e-01, v5  }
0x103: {  	v5 =	vmul.f32 v3, v2;
	v14 =	vsub.s32 $0x5F3759DF, v14  }
0x104: {  	v16 =	vmax.f32 v10, $1.000000020e-24;
	v18 =	vmul.f32 v6, v9;
	v9 =	vmul.f32 v14, v15  }
0x105: {  	v24 =	vmul.f32 $5.000000000e-01, v16;
	v16 =	vshrl.u32 v16, $0x1;
	v6 =	vld.idx.msk [tilespmem:v4+s20+$0x0], $0xffff;
	v5 =	vmul.f32 v5, v3  }
0x106: {  	v20 =	vsub.s32 $0x5F3759DF, v16;
	v19 =	vmul.f32 v18, v7;
	v9 =	vmul.f32 v14, v9  }
0x107: {  	s29 =	simm.s32 $0x30;
	v21 =	vmul.f32 v20, v24;
	v16 =	vsub.f32 $1.500000000e+00, v5  }
0x108: {  	v22 =	vmov s29;
	v19 =	vmul.f32 v19, v18;
	v5 =	vld.idx.msk [tilespmem:v4+s21+$0x0], $0xffff;
	v9 =	vsub.f32 $1.500000000e+00, v9  }
0x109: {  	v23 =	vmul.f32 v16, v3;
	v16 =	vmul.f32 v20, v21;
	v3 =	vshll.u32 v22, $0x7  }
0x10a: {  	v21 =	vmul.f32 v14, v9;
	v9 =	vmax.f32 v6, $1.000000020e-24;
	v3 =	vor.u32 v1, v3  }
0x10b: {  	v14 =	vshrl.u32 v9, $0x1;
	v3 =	vor.u32 v0, v3;
	v25 =	vmul.f32 $5.000000000e-01, v9  }
0x10c: {  	v9 =	vsub.f32 $1.500000000e+00, v16;
	v22 =	vmul.f32 v23, v2;
	v26 =	vsub.s32 $0x5F3759DF, v14  }
0x10d: {  	v2 =	vmax.f32 v5, $1.000000020e-24;
	v14 =	vmul.f32 v21, v15;
	v27 =	vmul.f32 v26, v25  }
0x10e: {  	v16 =	vmul.f32 $5.000000000e-01, v2;
	v2 =	vshrl.u32 v2, $0x1;
	v28 =	vmul.f32 v20, v9  }
0x10f: {  	v9 =	vmul.f32 v14, v21;
	v20 =	vsub.s32 $0x5F3759DF, v2;
	v14 =	vmul.f32 v26, v27  }
0x110: {  	v27 =	vmul.f32 v28, v24;
	v29 =	vmul.f32 v20, v16  }
0x111: {  	v19 =	vsub.f32 $1.500000000e+00, v19;
	v22 =	vmul.f32 v22, v23;
	v2 =	vld.idx.msk [tilespmem:v3+s21+$0x0], $0xffff;
	v30 =	vsub.f32 $1.500000000e+00, v9  }
0x112: {  	v9 =	vld.idx.msk [tilespmem:v3+s20+$0x0], $0xffff;
	v31 =	vsub.f32 $1.500000000e+00, v14;
	v27 =	vmul.f32 v27, v28;
	v29 =	vmul.f32 v20, v29  }
0x113: {  	v14 =	vimm.f32 $0.0e+00;
	v34 =	vmul.f32 v30, v21;
	v30 =	vmul.f32 v19, v18  }
0x114: {  	s30 =	simm.s32 $0x40;
	v18 =	vsub.f32 $1.500000000e+00, v22;
	v21 =	vmul.f32 v26, v31;
	v19 =	vsub.f32 $1.500000000e+00, v29  }
0x115: {  	v22 =	vmul.f32 v34, v15;
	v31 =	vmul.f32 v30, v7;
	v7 =	vmov s30  }
0x116: {  	v35 =	vmul.f32 v18, v23;
	v26 =	vmax.f32 v2, $1.000000020e-24;
	v29 =	vmul.f32 v21, v25  }
0x117: {  	v32 =	vmax.f32 v9, $1.000000020e-24;
	v7 =	vshll.u32 v7, $0x7;
	v20 =	vmul.f32 v20, v19  }
0x118: {  	v15 =	vmul.f32 $5.000000000e-01, v26;
	v33 =	vshrl.u32 v32, $0x1;
	v7 =	vor.u32 v1, v7  }
0x119: {  	v18 =	vmul.f32 $5.000000000e-01, v32;
	v26 =	vshrl.u32 v26, $0x1;
	v12 =	vmul.f32 v35, v12  }
0x11a: {  	v36 =	vmul.f32 v22, v34;
	v33 =	vsub.s32 $0x5F3759DF, v33;
	v23 =	vmul.f32 v29, v21  }
0x11b: {  	v7 =	vor.u32 v0, v7;
	v29 =	vmul.f32 v31, v30;
	v61 =	vmul.f32 v20, v16  }
0x11c: {  	v31 =	vld.idx.msk [tilespmem:v8+s22+$0x0], $0xffff;
	v8 =	vmul.f32 v33, v18;
	v37 =	vmul.f32 v12, v35;
	v19 =	vsub.f32 $1.500000000e+00, v23  }
0x11d: {  	v29 =	vsub.f32 $1.500000000e+00, v29;
	v23 =	vsub.s32 $0x5F3759DF, v26;
	v26 =	vmul.f32 v61, v20  }
0x11e: {  	v27 =	vsub.f32 $1.500000000e+00, v27;
	v22 =	vmul.f32 v33, v8;
	v38 =	vmul.f32 v23, v15  }
0x11f: {  	v36 =	vsub.f32 $1.500000000e+00, v36;
	v19 =	vmul.f32 v19, v21;
	v29 =	vmul.f32 v29, v30  }
0x120: {  	v21 =	vmul.f32 v27, v28;
	v12 =	vld.idx.msk [tilespmem:v7+s20+$0x0], $0xffff;
	v22 =	vsub.f32 $1.500000000e+00, v22;
	v30 =	vmul.f32 v23, v38  }
0x121: {  	s31 =	simm.s32 $0x50;
	v8 =	vld.idx.msk [tilespmem:v7+s21+$0x0], $0xffff;
	v62 =	vadd.f32 v31, v31;
	v27 =	vmul.f32 v19, v25;
	v25 =	vmul.f32 v29, v35  }
0x122: {  	v63 =	vmul.f32 v29, v17;
	v31 =	vmul.f32 v21, v24;
	v24 =	vmov s31  }
0x123: {  	v22 =	vmul.f32 v33, v22;
	v28 =	vsub.f32 $1.500000000e+00, v30;
	v38 =	vmul.f32 v25, v62  }
0x124: {  	v33 =	vmul.f32 v63, v29;
	v29 =	vshll.u32 v24, $0x7;
	v24 =	vmul.f32 v36, v34  }
0x125: {  	v30 =	vmul.f32 v22, v18;
	v35 =	vor.u32 v1, v29;
	v32 =	vmax.f32 v12, $1.000000020e-24  }
0x126: {  	v39 =	vmax.f32 v8, $1.000000020e-24;
	v34 =	vsub.f32 v37, v38;
	v25 =	vshrl.u32 v32, $0x1  }
0x127: {  	s25 =	simm.s32 $0x60;
	v17 =	vmul.f32 $5.000000000e-01, v39;
	v29 =	vshrl.u32 v39, $0x1;
	v25 =	vsub.s32 $0x5F3759DF, v25  }
.LBB2_6:
0x128: {  	p0 =	sne.s32 s25, $0x70;
	v35 =	vor.u32 v0, v35;
	v30 =	vmul.f32 v30, v22;
	v31 =	vmul.f32 v31, v21;
	s26 =	smov.u32 s25;
	s25 =	sadd.s32 $0x10, s25  }
0x129: {  	v32 =	vmul.f32 $5.000000000e-01, v32;
	v36 =	vsub.f32 $1.500000000e+00, v26;
	v26 =	vadd.f32 v34, v33  }
0x12a: {  	v28 =	vmul.f32 v23, v28;
	v30 =	vsub.f32 $1.500000000e+00, v30;
	v33 =	vld.idx.msk [tilespmem:v11+s22+$0x0], $0xffff;
	v31 =	vsub.f32 $1.500000000e+00, v31;
	v11 =	vmovc v4;
	v4 =	vmovc v3  }
0x12b: {  	v34 =	vmul.f32 v24, v13;
	v23 =	vmul.f32 v25, v32;
	v3 =	vmovc v7;
	v7 =	vmovc v35;
	v38 =	vmax.f32 v26, $9.999999960e-13  }
0x12c: {  	v27 =	vmul.f32 v27, v19;
	v13 =	vmovc v6;
	v6 =	vmovc v9;
	v26 =	vmul.f32 v28, v15;
	v37 =	vmin.f32 v38, $9.999999950e+11  }
0x12d: {  	v9 =	vmovc v12;
	v34 =	vmul.f32 v34, v24;
	v39 =	vmul.f32 v25, v23;
	v23 =	vsub.s32 $0x5F3759DF, v29;
	v38 =	vld.idx.msk [tilespmem:v35+s21+$0x0], $0xffff  }
0x12e: {  	v29 =	vmul.f32 v23, v17;
	v26 =	vmul.f32 v26, v28;
	v14 =	vadd.f32 v37, v14;
	v12 =	vld.idx.msk [tilespmem:v35+s20+$0x0], $0xffff  }
0x12f: {  	v37 =	vmul.f32 v30, v22;
	v35 =	vsub.f32 $1.500000000e+00, v39;
	v39 =	vmul.f32 v31, v21  }
0x130: {  	v21 =	vmul.f32 v36, v20;
	v20 =	vmovc v28;
	v29 =	vmul.f32 v23, v29;
	v33 =	vadd.f32 v33, v33  }
0x131: {  	v22 =	vmul.f32 v25, v35;
	v35 =	vsub.f32 $1.500000000e+00, v27;
	v25 =	vmul.f32 v39, v10;
	v10 =	vmovc v5;
	v5 =	vmovc v2  }
0x132: {  	v27 =	vmul.f32 v37, v18;
	v24 =	vmul.f32 v39, v24;
	v18 =	vmovc v32;
	v2 =	vmovc v8;
	v28 =	vsub.f32 $1.500000000e+00, v29  }
.Ltmp2:
0x133: {  	v31 =	vmul.f32 v21, v16;
	v16 =	vmovc v15;
	v29 =	vmax.f32 v38, $1.000000020e-24;
	v30 =	vmul.f32 v22, v18;
	v8 =	vmovc v38;
	(pc) =	sbr.rel @p0 .LBB2_6-.Ltmp2, $4  }
0x134: {  	v15 =	vmovc v17;
	v36 =	vmul.f32 v24, v33;
	v32 =	vmax.f32 v12, $1.000000020e-24;
	v17 =	vmul.f32 $5.000000000e-01, v29  }
0x135: {  	v24 =	vmov s26;
	v33 =	vmul.f32 v25, v39;
	v38 =	vshrl.u32 v32, $0x1  }
0x136: {  	v39 =	vshll.u32 v24, $0x7;
	v24 =	vmul.f32 v35, v19;
	v19 =	vmovc v37;
	v25 =	vsub.s32 $0x5F3759DF, v38  }
0x137: {  	v29 =	vshrl.u32 v29, $0x1;
	v35 =	vor.u32 v1, v39;
	v34 =	vsub.f32 v34, v36  }
0x138: {  	v30 =	vmul.f32 v30, v22  }
0x139: {  	v35 =	vor.u32 v0, v35;
	v31 =	vmul.f32 v31, v21;
	v32 =	vmul.f32 $5.000000000e-01, v32  }
0x13a: {  	v23 =	vmul.f32 v23, v28;
	v13 =	vmul.f32 v24, v13;
	v29 =	vsub.s32 $0x5F3759DF, v29  }
0x13b: {  	v26 =	vsub.f32 $1.500000000e+00, v26;
	v27 =	vmul.f32 v27, v19;
	v38 =	vmul.f32 v29, v17  }
0x13c: {  	v33 =	vadd.f32 v34, v33;
	v41 =	vmul.f32 v25, v32;
	v42 =	vmul.f32 v23, v15  }
0x13d: {  	v40 =	vsub.f32 $1.500000000e+00, v31;
	v13 =	vmul.f32 v13, v24;
	v20 =	vmul.f32 v26, v20  }
0x13e: {  	v11 =	vld.idx.msk [tilespmem:v11+s22+$0x0], $0xffff;
	v30 =	vsub.f32 $1.500000000e+00, v30;
	v45 =	vmul.f32 v29, v38;
	v31 =	vmul.f32 v25, v41  }
0x13f: {  	v47 =	vsub.f32 $1.500000000e+00, v27;
	v34 =	vmul.f32 v42, v23;
	v44 =	vmul.f32 v40, v21  }
0x140: {  	v43 =	vmul.f32 v30, v22;
	v16 =	vmul.f32 v20, v16  }
0x141: {  	v56 =	vmul.f32 v47, v19;
	v48 =	vsub.f32 $1.500000000e+00, v45;
	v10 =	vmul.f32 v44, v10  }
0x142: {  	v36 =	vld.idx.msk [tilespmem:v35+s21+$0x0], $0xffff;
	v31 =	vsub.f32 $1.500000000e+00, v31;
	v18 =	vmul.f32 v43, v18;
	v49 =	vmul.f32 v44, v24  }
0x143: {  	v37 =	vld.idx.msk [tilespmem:v35+s20+$0x0], $0xffff;
	v11 =	vadd.f32 v11, v11;
	v16 =	vmul.f32 v16, v20;
	v6 =	vmul.f32 v56, v6  }
0x144: {  	v27 =	vmul.f32 v29, v48;
	v46 =	vmul.f32 v25, v31  }
0x145: {  	v60 =	vsub.f32 $1.500000000e+00, v34;
	v11 =	vmul.f32 v49, v11;
	v10 =	vmul.f32 v10, v44  }
0x146: {  	v33 =	vmax.f32 v33, $9.999999960e-13;
	v18 =	vmul.f32 v18, v43;
	v6 =	vmul.f32 v6, v56  }
0x147: {  	v16 =	vsub.f32 $1.500000000e+00, v16;
	v39 =	vmul.f32 v60, v23;
	v62 =	vmul.f32 v27, v17  }
0x148: {  	v50 =	vmax.f32 v36, $1.000000020e-24;
	v51 =	vmul.f32 v46, v32;
	v52 =	vmax.f32 v37, $1.000000020e-24  }
0x149: {  	v4 =	vld.idx.msk [tilespmem:v4+s22+$0x0], $0xffff;
	v16 =	vmul.f32 v16, v20;
	v42 =	vmul.f32 v39, v15;
	v53 =	vshrl.u32 v52, $0x1  }
0x14a: {  	v54 =	vmul.f32 $5.000000000e-01, v50;
	v57 =	vshrl.u32 v50, $0x1;
	v58 =	vmul.f32 $5.000000000e-01, v52  }
0x14b: {  	v30 =	vmul.f32 v62, v27;
	v55 =	vsub.s32 $0x5F3759DF, v53;
	v24 =	vsub.s32 $0x5F3759DF, v57  }
0x14c: {  	v33 =	vmin.f32 v33, $9.999999950e+11;
	v61 =	vmul.f32 v55, v58;
	v63 =	vmul.f32 v24, v54  }
0x14d: {  	v18 =	vsub.f32 $1.500000000e+00, v18;
	v59 =	vmul.f32 v51, v46;
	v5 =	vmul.f32 v16, v5  }
0x14e: {  	v4 =	vadd.f32 v4, v4;
	v29 =	vmul.f32 v55, v61;
	v34 =	vmul.f32 v24, v63  }
0x14f: {  	v11 =	vsub.f32 v13, v11;
	v19 =	vmul.f32 v16, v56;
	v43 =	vmul.f32 v18, v43  }
0x150: {  	v15 =	vmul.f32 v42, v39;
	v29 =	vsub.f32 $1.500000000e+00, v29;
	v20 =	vsub.f32 $1.500000000e+00, v34  }
0x151: {  	v3 =	vld.idx.msk [tilespmem:v3+s22+$0x0], $0xffff;
	v13 =	vsub.f32 $1.500000000e+00, v59;
	v4 =	vmul.f32 v19, v4;
	v5 =	vmul.f32 v5, v16  }
0x152: {  	v14 =	vadd.f32 v33, v14;
	v21 =	vmul.f32 v55, v29;
	v20 =	vmul.f32 v24, v20  }
0x153: {  	v9 =	vmul.f32 v43, v9;
	v15 =	vsub.f32 $1.500000000e+00, v15;
	v13 =	vmul.f32 v13, v46  }
0x154: {  	v7 =	vld.idx.msk [tilespmem:v7+s22+$0x0], $0xffff;
	v10 =	vadd.f32 v11, v10;
	v41 =	vmul.f32 v21, v58;
	v44 =	vmul.f32 v20, v54  }
0x155: {  	v46 =	vsub.f32 $1.500000000e+00, v30;
	v9 =	vmul.f32 v9, v43;
	v11 =	vmul.f32 v15, v39  }
0x156: {  	v3 =	vadd.f32 v3, v3;
	v45 =	vmul.f32 v41, v21;
	v18 =	vmul.f32 v44, v20  }
0x157: {  	v4 =	vsub.f32 v6, v4;
	v40 =	vmul.f32 v13, v32;
	v19 =	vmul.f32 v46, v27  }
0x158: {  	v16 =	vmul.f32 v11, v43;
	v6 =	vsub.f32 $1.500000000e+00, v45;
	v18 =	vsub.f32 $1.500000000e+00, v18  }
0x159: {  	v7 =	vadd.f32 v7, v7;
	v47 =	vmul.f32 v40, v13;
	v48 =	vmul.f32 v19, v17  }
0x15a: {  	v4 =	vadd.f32 v4, v5;
	v6 =	vmul.f32 v6, v21;
	v49 =	vmul.f32 v18, v20  }
0x15b: {  	v2 =	vmul.f32 v11, v2;
	v50 =	vsub.f32 $1.500000000e+00, v47;
	v5 =	vmul.f32 v48, v19  }
0x15c: {  	v10 =	vmax.f32 v10, $9.999999960e-13;
	v51 =	vmul.f32 v6, v58;
	v18 =	vmul.f32 v49, v54  }
0x15d: {  	v3 =	vmul.f32 v16, v3;
	v13 =	vmul.f32 v50, v13;
	v5 =	vsub.f32 $1.500000000e+00, v5  }
0x15e: {  	v10 =	vmin.f32 v10, $9.999999950e+11;
	v52 =	vmul.f32 v51, v6;
	v53 =	vmul.f32 v18, v49  }
0x15f: {  	v10 =	vadd.f32 v10, v14;
	v12 =	vmul.f32 v13, v12;
	v5 =	vmul.f32 v5, v19;
	v54 =	vld.idx.msk [tilespmem:v35+s22+$0x0], $0xffff  }
0x160: {  	v2 =	vmul.f32 v2, v11;
	v15 =	vsub.f32 $1.500000000e+00, v52;
	v55 =	vsub.f32 $1.500000000e+00, v53  }
0x161: {  	v4 =	vmax.f32 v4, $9.999999960e-13;
	v12 =	vmul.f32 v12, v13;
	v13 =	vmul.f32 v5, v13  }
0x162: {  	v4 =	vmin.f32 v4, $9.999999950e+11;
	v6 =	vmul.f32 v15, v6;
	v11 =	vmul.f32 v55, v49  }
0x163: {  	v3 =	vsub.f32 v9, v3;
	v8 =	vmul.f32 v5, v8;
	v7 =	vmul.f32 v13, v7  }
0x164: {  	v57 =	vadd.f32 v54, v54;
	v56 =	vmul.f32 v6, v37;
	v14 =	vmul.f32 v11, v6  }
0x165: {  	v2 =	vadd.f32 v3, v2;
	v3 =	vmul.f32 v8, v5;
	v60 =	vmul.f32 v11, v36  }
0x166: {  	v59 =	vsub.f32 v12, v7;
	v58 =	vmul.f32 v56, v6;
	v61 =	vmul.f32 v14, v57  }
0x167: {  	v4 =	vadd.f32 v4, v10;
	v2 =	vmax.f32 v2, $9.999999960e-13  }
0x168: {  	v3 =	vadd.f32 v59, v3;
	v62 =	vmul.f32 v60, v11;
	v5 =	vsub.f32 v58, v61  }
0x169: {  	v2 =	vmin.f32 v2, $9.999999950e+11  }
0x16a: {  	v2 =	vadd.f32 v2, v4;
	v3 =	vmax.f32 v3, $9.999999960e-13;
	v63 =	vadd.f32 v5, v62  }
0x16b: {  	v3 =	vmin.f32 v3, $9.999999950e+11  }
0x16c: {  	v2 =	vadd.f32 v3, v2;
	v3 =	vmax.f32 v63, $9.999999960e-13  }
0x16d: {  	v3 =	vmin.f32 v3, $9.999999950e+11  }
0x16e: {  	v2 =	vadd.f32 v3, v2;
	_ =	sdelay $0x1  }
0x16f: {  	s24 =	sadd.s32 $0x1, s24;
	v2 =	vmul.f32 $2.441406250e-04, v2  }
0x170: {  	p0 =	sne.s32 s24, s8  }
.Ltmp3:
0x171: {  	[tilespmem:$0x14180] =	vst v2;
	(pc) =	sbr.rel @p0 .LBB2_1-.Ltmp3, $4  }
0x172: {  	[hbm4b:s7+s3] =	stream.linear.scatter [tilespmem:s23], [sflag:$0x4], $0x10, $0x38;
	[tilespmem:$0x14200] =	vst v63  }
0x173: {  	_ =	swait.ge [sflag:s10], $0x10  }
0x174: {  	[sflag:s10] =	ssyncset.done $0x0  }
0x175: {  	[sflag:s10] =	ssyncadd.s32 $0xFFFFFFF0  }
0x176: {  	_ =	sfence.sel $0x180000  }
0x177: {  	[bflag:$0x0] =	sbarrier.arrive $0xFFFF  }
0x178: {  	p0 =	sne.s32 s1, $0x0;
	_ =	strace $0x90000047  }
0x179: {  	s0 =	sadd.s32 @!p0 $0x100000, s0;
	[bflag:$0x2] =	sbarrier.arrive $0xFFFF  }
0x17a: {  	[sflag:s0] =	ssyncadd.tile.s32 @!p0 $0x1;
	_ =	shalt  }
.Lfunc_end2:
_tile_overlayer_lowered:
.L_overlay_start_2:
0x17b: {  	(tag) =	ssettag $0x2  }
0x17c: {  	s0 =	rddreg [dreg:$0x0];
	s2 =	stileid.u32  }
0x17d: {  	s1 =	rddreg [dreg:$0x1];
	p0 =	sne.s32 s2, $0x0  }
0x17e: {  	s3 =	rddreg [dreg:$0x2];
	[bflag:$0x3] =	sbarrier.arrive $0xFFFF;
	s2 =	simm.s32 @!p0 $0x1C04  }
0x17f: {  	[timem:s3], [sflag:s2] =	dma.local @!p0 [hbm:s0], s1  }
0x180: {  	s0 =	simm.s32 @!p0 $0x4  }
0x181: {  	_ =	swait.ge @!p0 [sflag:s0], s1  }
0x182: {  	s1 =	ssub.s32 @!p0 $0x0, s1;
	[sflag:s0] =	ssyncset.done @!p0 $0x0  }
0x183: {  	[sflag:s0] =	ssyncadd.s32 @!p0 s1  }
0x184: {  	[bflag:$0x3] =	sbarrier.arrive $0xFFFF  }
0x185: {  	_ =	shalt  }

</sc_bundles>
